<compile_context>
chip_gen: v7x
topology: tpu7x:2x2x1
jax: 0.10.2.dev20260603
libtpu: 0.0.44.dev20260713+nightly
codegen_flags: <defaults>
</compile_context>

<pallas_src>
import functools

import jax
import jax.numpy as jnp
from jax import lax
from jax.experimental import pallas as pl
from jax.experimental.pallas import tpu as pltpu
from jax.experimental.pallas import tpu_sc as plsc

N_SNPS = 20000
D_DELTA = 768
D_GENE = 200
D_MODEL = 64
BATCH = 32
N_GENO = 4
EPS = 1e-5


_SNP_BLK = 2000


def _p1_body(delta, gene, wseq, wfunc, bseq, bfunc, table, gamma, beta, out):
    bio = lax.dot_general(delta[...], wseq[...], (((1,), (1,)), ((), ())),
                          preferred_element_type=jnp.float32)
    bio = bio + lax.dot_general(gene[...], wfunc[...], (((1,), (1,)), ((), ())),
                                preferred_element_type=jnp.float32)
    bio = bio + bseq[...] + bfunc[...]
    g_row = gamma[...]
    b_row = beta[...]
    for g in range(N_GENO):
        t = bio + table[g, :][None, :]
        mu = jnp.mean(t, axis=-1, keepdims=True)
        var = jnp.mean(jnp.square(t - mu), axis=-1, keepdims=True)
        out[g] = (t - mu) * lax.rsqrt(var + EPS) * g_row + b_row


def _phase1(delta_E, gene_E, W_seq, b_seq, W_func, b_func, geno_table, gamma, beta):
    grid = (N_SNPS // _SNP_BLK,)
    full = lambda shape: pl.BlockSpec(shape, lambda i: tuple(0 for _ in shape))
    return pl.pallas_call(
        _p1_body,
        grid=grid,
        in_specs=[
            pl.BlockSpec((_SNP_BLK, D_DELTA), lambda i: (i, 0)),
            pl.BlockSpec((_SNP_BLK, D_GENE), lambda i: (i, 0)),
            full((D_MODEL, D_DELTA)),
            full((D_MODEL, D_GENE)),
            full((1, D_MODEL)),
            full((1, D_MODEL)),
            full((N_GENO, D_MODEL)),
            full((1, D_MODEL)),
            full((1, D_MODEL)),
        ],
        out_specs=pl.BlockSpec((N_GENO, _SNP_BLK, D_MODEL), lambda i: (0, i, 0)),
        out_shape=jax.ShapeDtypeStruct((N_GENO, N_SNPS, D_MODEL), jnp.float32),
    )(delta_E, gene_E, W_seq, W_func,
      b_seq.reshape(1, D_MODEL), b_func.reshape(1, D_MODEL), geno_table,
      gamma.reshape(1, D_MODEL), beta.reshape(1, D_MODEL))



_CHUNK = 800
_GSUB = 80
_NSUB = _CHUNK // _GSUB


def _make_gather():
    info = plsc.get_sparse_core_info()
    nc, ns = info.num_cores, info.num_subcores
    nw = nc * ns
    rows_per_w = (BATCH * N_SNPS) // nw
    n_chunks = rows_per_w // _CHUNK

    mesh = plsc.VectorSubcoreMesh(core_axis_name="c", subcore_axis_name="s")

    @functools.partial(
        pl.kernel,
        mesh=mesh,
        out_type=jax.ShapeDtypeStruct((BATCH * N_SNPS, D_MODEL), jnp.float32),
        scratch_types=[
            pltpu.VMEM((_CHUNK,), jnp.int32),
            pltpu.VMEM((_NSUB, _GSUB), jnp.int32),
            pltpu.VMEM((_CHUNK, D_MODEL), jnp.float32),
            pltpu.SemaphoreType.DMA,
        ],
        compiler_params=pltpu.CompilerParams(use_tc_tiling_on_sc=False),
    )
    def gather_kernel(a_hbm, x_hbm, out_hbm, x_v, idx_v, rows_v, sem):
        wid = lax.axis_index("s") * nc + lax.axis_index("c")
        base = wid * rows_per_w

        def chunk_body(k, carry):
            off = base + k * _CHUNK
            snp0 = k * _CHUNK
            pltpu.sync_copy(x_hbm.at[pl.ds(off, _CHUNK)], x_v)
            lane = lax.iota(jnp.int32, 16)
            for j in range(_NSUB):
                for c in range(_GSUB // 16):
                    x16 = x_v[pl.ds(j * _GSUB + c * 16, 16)]
                    snp = lane + (snp0 + j * _GSUB + c * 16)
                    idx_v[j, pl.ds(c * 16, 16)] = x16 * N_SNPS + snp
            copies = [
                pltpu.async_copy(a_hbm.at[idx_v.at[j]],
                                 rows_v.at[pl.ds(j * _GSUB, _GSUB)], sem)
                for j in range(_NSUB)
            ]
            for cp in copies:
                cp.wait()
            pltpu.sync_copy(rows_v, out_hbm.at[pl.ds(off, _CHUNK)])
            return carry

        lax.fori_loop(0, n_chunks, chunk_body, 0)

    return gather_kernel


def kernel(x_cat, delta_E, gene_E, W_seq, b_seq, W_func, b_func, geno_table, gamma, beta):
    a = _phase1(delta_E, gene_E, W_seq, b_seq, W_func, b_func,
                geno_table, gamma, beta)
    a_flat = a.reshape(N_GENO * N_SNPS, D_MODEL)
    x_flat = x_cat.reshape(BATCH * N_SNPS)
    out_flat = _make_gather()(a_flat, x_flat)
    return out_flat.reshape(BATCH, N_SNPS, D_MODEL)

# --- scband reference (transcript-rebuilt; emitter-appended) ---
"""Pipeline reference for scband-bio-feature-tokenizer-39719857553659 (READ-ONLY COPY).

The authoritative reference and input builder live on the scoring server;
editing this copy changes nothing except your own understanding.
"""

import jax, jax.numpy as jnp
import numpy as np

N_SNPS = 20000
D_DELTA = 768
D_GENE = 200
D_MODEL = 64
BATCH = 32


def layer_norm(x, gamma, beta, eps=1e-5):
    mu = jnp.mean(x, axis=-1, keepdims=True)
    var = jnp.var(x, axis=-1, keepdims=True)
    return (x - mu) / jnp.sqrt(var + eps) * gamma + beta


def setup_inputs(seed: int = 0) -> dict:
    key = jax.random.key(seed)
    ks = jax.random.split(key, 8)
    delta_E = jax.random.normal(ks[0], (N_SNPS, D_DELTA), dtype=jnp.float32)
    gene_E = jax.random.normal(ks[1], (N_SNPS, D_GENE), dtype=jnp.float32)
    x_cat = jax.random.randint(ks[2], (BATCH, N_SNPS), 0, 3, dtype=jnp.int32)
    W_seq = jax.random.normal(ks[3], (D_MODEL, D_DELTA), dtype=jnp.float32) * 0.02
    b_seq = jnp.zeros((D_MODEL,), dtype=jnp.float32)
    W_func = jax.random.normal(ks[4], (D_MODEL, D_GENE), dtype=jnp.float32) * 0.02
    b_func = jnp.zeros((D_MODEL,), dtype=jnp.float32)
    geno_table = jax.random.normal(ks[5], (4, D_MODEL), dtype=jnp.float32) * 0.02
    gamma = jnp.ones((D_MODEL,), dtype=jnp.float32)
    beta = jnp.zeros((D_MODEL,), dtype=jnp.float32)
    return {
        "x_cat": x_cat,
        "delta_E": delta_E,
        "gene_E": gene_E,
        "W_seq": W_seq,
        "b_seq": b_seq,
        "W_func": W_func,
        "b_func": b_func,
        "geno_table": geno_table,
        "gamma": gamma,
        "beta": beta,
    }


def reference(x_cat, delta_E, gene_E, W_seq, b_seq, W_func, b_func, geno_table, gamma, beta):
    # bio_identity = seq_proj(delta_E) + func_proj(gene_E)  -> [N_SNPS, D_MODEL]
    bio_identity = delta_E @ W_seq.T + b_seq + gene_E @ W_func.T + b_func
    # genotype embedding lookup (gather) -> [B, N_SNPS, D_MODEL]
    geno_state = jnp.take(geno_table, x_cat, axis=0)
    tokens = bio_identity[None, :, :] + geno_state
    return layer_norm(tokens, gamma, beta)

if __name__ == "__main__":
    import jax
    _d = setup_inputs()
    print(jax.jit(kernel)(*tuple(_d.values())))

</pallas_src>

<mosaic_0001>
#map = affine_map<(d0, d1) -> (0, 0)>
#map1 = affine_map<(d0, d1) -> (0)>
module attributes {stable_mosaic.version = 14 : i64} {
  func.func @gather_kernel(%arg0: i32, %arg1: i32, %arg2: memref<80000x64xf32, #tpu.memory_space<hbm>>, %arg3: memref<640000xi32, #tpu.memory_space<hbm>>, %arg4: memref<640000x64xf32, #tpu.memory_space<hbm>>, %arg5: memref<800xi32, #tpu.memory_space<vmem>>, %arg6: memref<10x80xi32, #tpu.memory_space<vmem>>, %arg7: memref<800x64xf32, #tpu.memory_space<vmem>>, %arg8: memref<!tpu.dma_semaphore, #tpu.memory_space<semaphore_mem>>) attributes {dimension_semantics = [#tpu.dimension_semantics<core_parallel>, #tpu.dimension_semantics<subcore_parallel>], iteration_bounds = array<i64: 2, 16>, scalar_prefetch = 0 : i64, scratch_operands = 4 : i64, tpu.core_type = #tpu.core_type<sc_vector_subcore>, window_params = [{transform_indices = #map}, {transform_indices = #map1}, {transform_indices = #map}]} {
    %mul3A = arith.constant 2 : i32
    %mul3A_0 = arith.muli %arg1, %mul3A : i32
    %add3A = arith.addi %mul3A_0, %arg0 : i32
    %mul3A_1 = arith.constant 20000 : i32
    %mul3A_2 = arith.muli %add3A, %mul3A_1 : i32
    %scan3A = arith.constant 0 : i32
    %scan3A_3 = arith.constant 0 : i32
    %scan3A_4 = arith.constant 25 : i32
    %scan3A_5 = arith.addi %scan3A_3, %scan3A_4 : i32
    %scan3A_6 = arith.constant 1 : i32
    scf.for %scan3A_8 = %scan3A_3 to %scan3A_5 step %scan3A_6  : i32 {
      %mul3A_9 = arith.constant 800 : i32
      %mul3A_10 = arith.muli %scan3A_8, %mul3A_9 : i32
      %add3A_11 = arith.addi %mul3A_2, %mul3A_10 : i32
      %mul3A_12 = arith.constant 800 : i32
      %mul3A_13 = arith.muli %scan3A_8, %mul3A_12 : i32
      "tpu.region"() ({
        %run_scoped3A = tpu.sem_alloc : memref<!tpu.dma_semaphore, #tpu.memory_space<semaphore_mem>>
        %dma_start3A_1160 = tpu.memref_slice %arg3[%add3A_11] : memref<640000xi32, #tpu.memory_space<hbm>> -> memref<800xi32, #tpu.memory_space<hbm>>
        %dma_start3A_1161 = tpu.memref_slice %arg3[%add3A_11] : memref<640000xi32, #tpu.memory_space<hbm>> -> memref<800xi32, #tpu.memory_space<hbm>>
        tpu.enqueue_dma source(%dma_start3A_1161 : memref<800xi32, #tpu.memory_space<hbm>>) target(%arg5 : memref<800xi32, #tpu.memory_space<vmem>>) target_semaphore(%run_scoped3A : memref<!tpu.dma_semaphore, #tpu.memory_space<semaphore_mem>>)
        %dma_wait3A_1162 = tpu.memref_slice %arg3[%add3A_11] : memref<640000xi32, #tpu.memory_space<hbm>> -> memref<800xi32, #tpu.memory_space<hbm>>
        %dma_wait3A_1163 = tpu.memref_slice %arg3[%add3A_11] : memref<640000xi32, #tpu.memory_space<hbm>> -> memref<800xi32, #tpu.memory_space<hbm>>
        tpu.wait_dma2 semaphore(%run_scoped3A : memref<!tpu.dma_semaphore, #tpu.memory_space<semaphore_mem>>) src(%dma_wait3A_1163 : memref<800xi32, #tpu.memory_space<hbm>>) dst(%arg5 : memref<800xi32, #tpu.memory_space<vmem>>)
        tpu.yield
      }) : () -> ()
      %iota3A = tpu.iota {dimensions = array<i32: 0>} : vector<16xi32>
      %get3A = arith.constant 0 : index
      %get3A_14 = tpu.vector_load %arg5[%get3A] {strides = array<i32>} : memref<800xi32, #tpu.memory_space<vmem>>, vector<16xi32>,
      %get3A_15 = vector.shape_cast %get3A_14 : vector<16xi32> to vector<16xi32>
      %add3A_16 = arith.constant 0 : i32
      %add3A_17 = arith.addi %mul3A_13, %add3A_16 : i32
      %add3A_18 = arith.constant 0 : i32
      %add3A_19 = arith.addi %add3A_17, %add3A_18 : i32
      %add3A_20 = vector.broadcast %add3A_19 : i32 to vector<16xi32>
      %add3A_21 = arith.addi %iota3A, %add3A_20 : vector<16xi32>
      %mul3A_22 = arith.constant 20000 : i32
      %mul3A_23 = vector.broadcast %mul3A_22 : i32 to vector<16xi32>
      %mul3A_24 = arith.muli %get3A_15, %mul3A_23 : vector<16xi32>
      %add3A_25 = arith.addi %mul3A_24, %add3A_21 : vector<16xi32>
      %swap3A = arith.constant 0 : i32
      %swap3A_26 = arith.index_cast %swap3A : i32 to index
      %swap3A_27 = arith.constant 0 : index
      %swap3A_28 = tpu.vector_load %arg6[%swap3A_26, %swap3A_27] {strides = array<i32>} : memref<10x80xi32, #tpu.memory_space<vmem>>, vector<1x16xi32>,
      %swap3A_29 = vector.shape_cast %swap3A_28 : vector<1x16xi32> to vector<16xi32>
      %swap3A_30 = vector.shape_cast %add3A_25 : vector<16xi32> to vector<1x16xi32>
      tpu.vector_store %arg6[%swap3A_26, %swap3A_27], %swap3A_30 {strides = array<i32>} : memref<10x80xi32, #tpu.memory_space<vmem>>, vector<1x16xi32>,
      %get3A_31 = arith.constant 16 : index
      %get3A_32 = tpu.vector_load %arg5[%get3A_31] {strides = array<i32>} : memref<800xi32, #tpu.memory_space<vmem>>, vector<16xi32>,
      %get3A_33 = vector.shape_cast %get3A_32 : vector<16xi32> to vector<16xi32>
      %add3A_34 = arith.constant 0 : i32
      %add3A_35 = arith.addi %mul3A_13, %add3A_34 : i32
      %add3A_36 = arith.constant 16 : i32
      %add3A_37 = arith.addi %add3A_35, %add3A_36 : i32
      %add3A_38 = vector.broadcast %add3A_37 : i32 to vector<16xi32>
      %add3A_39 = arith.addi %iota3A, %add3A_38 : vector<16xi32>
      %mul3A_40 = arith.constant 20000 : i32
      %mul3A_41 = vector.broadcast %mul3A_40 : i32 to vector<16xi32>
      %mul3A_42 = arith.muli %get3A_33, %mul3A_41 : vector<16xi32>
      %add3A_43 = arith.addi %mul3A_42, %add3A_39 : vector<16xi32>
      %swap3A_44 = arith.constant 0 : i32
      %swap3A_45 = arith.index_cast %swap3A_44 : i32 to index
      %swap3A_46 = arith.constant 16 : index
      %swap3A_47 = tpu.vector_load %arg6[%swap3A_45, %swap3A_46] {strides = array<i32>} : memref<10x80xi32, #tpu.memory_space<vmem>>, vector<1x16xi32>,
      %swap3A_48 = vector.shape_cast %swap3A_47 : vector<1x16xi32> to vector<16xi32>
      %swap3A_49 = vector.shape_cast %add3A_43 : vector<16xi32> to vector<1x16xi32>
      tpu.vector_store %arg6[%swap3A_45, %swap3A_46], %swap3A_49 {strides = array<i32>} : memref<10x80xi32, #tpu.memory_space<vmem>>, vector<1x16xi32>,
      %get3A_50 = arith.constant 32 : index
      %get3A_51 = tpu.vector_load %arg5[%get3A_50] {strides = array<i32>} : memref<800xi32, #tpu.memory_space<vmem>>, vector<16xi32>,
      %get3A_52 = vector.shape_cast %get3A_51 : vector<16xi32> to vector<16xi32>
      %add3A_53 = arith.constant 0 : i32
      %add3A_54 = arith.addi %mul3A_13, %add3A_53 : i32
      %add3A_55 = arith.constant 32 : i32
      %add3A_56 = arith.addi %add3A_54, %add3A_55 : i32
      %add3A_57 = vector.broadcast %add3A_56 : i32 to vector<16xi32>
      %add3A_58 = arith.addi %iota3A, %add3A_57 : vector<16xi32>
      %mul3A_59 = arith.constant 20000 : i32
      %mul3A_60 = vector.broadcast %mul3A_59 : i32 to vector<16xi32>
      %mul3A_61 = arith.muli %get3A_52, %mul3A_60 : vector<16xi32>
      %add3A_62 = arith.addi %mul3A_61, %add3A_58 : vector<16xi32>
      %swap3A_63 = arith.constant 0 : i32
      %swap3A_64 = arith.index_cast %swap3A_63 : i32 to index
      %swap3A_65 = arith.constant 32 : index
      %swap3A_66 = tpu.vector_load %arg6[%swap3A_64, %swap3A_65] {strides = array<i32>} : memref<10x80xi32, #tpu.memory_space<vmem>>, vector<1x16xi32>,
      %swap3A_67 = vector.shape_cast %swap3A_66 : vector<1x16xi32> to vector<16xi32>
      %swap3A_68 = vector.shape_cast %add3A_62 : vector<16xi32> to vector<1x16xi32>
      tpu.vector_store %arg6[%swap3A_64, %swap3A_65], %swap3A_68 {strides = array<i32>} : memref<10x80xi32, #tpu.memory_space<vmem>>, vector<1x16xi32>,
      %get3A_69 = arith.constant 48 : index
      %get3A_70 = tpu.vector_load %arg5[%get3A_69] {strides = array<i32>} : memref<800xi32, #tpu.memory_space<vmem>>, vector<16xi32>,
      %get3A_71 = vector.shape_cast %get3A_70 : vector<16xi32> to vector<16xi32>
      %add3A_72 = arith.constant 0 : i32
      %add3A_73 = arith.addi %mul3A_13, %add3A_72 : i32
      %add3A_74 = arith.constant 48 : i32
      %add3A_75 = arith.addi %add3A_73, %add3A_74 : i32
      %add3A_76 = vector.broadcast %add3A_75 : i32 to vector<16xi32>
      %add3A_77 = arith.addi %iota3A, %add3A_76 : vector<16xi32>
      %mul3A_78 = arith.constant 20000 : i32
      %mul3A_79 = vector.broadcast %mul3A_78 : i32 to vector<16xi32>
      %mul3A_80 = arith.muli %get3A_71, %mul3A_79 : vector<16xi32>
      %add3A_81 = arith.addi %mul3A_80, %add3A_77 : vector<16xi32>
      %swap3A_82 = arith.constant 0 : i32
      %swap3A_83 = arith.index_cast %swap3A_82 : i32 to index
      %swap3A_84 = arith.constant 48 : index
      %swap3A_85 = tpu.vector_load %arg6[%swap3A_83, %swap3A_84] {strides = array<i32>} : memref<10x80xi32, #tpu.memory_space<vmem>>, vector<1x16xi32>,
      %swap3A_86 = vector.shape_cast %swap3A_85 : vector<1x16xi32> to vector<16xi32>
      %swap3A_87 = vector.shape_cast %add3A_81 : vector<16xi32> to vector<1x16xi32>
      tpu.vector_store %arg6[%swap3A_83, %swap3A_84], %swap3A_87 {strides = array<i32>} : memref<10x80xi32, #tpu.memory_space<vmem>>, vector<1x16xi32>,
      %get3A_88 = arith.constant 64 : index
      %get3A_89 = tpu.vector_load %arg5[%get3A_88] {strides = array<i32>} : memref<800xi32, #tpu.memory_space<vmem>>, vector<16xi32>,
      %get3A_90 = vector.shape_cast %get3A_89 : vector<16xi32> to vector<16xi32>
      %add3A_91 = arith.constant 0 : i32
      %add3A_92 = arith.addi %mul3A_13, %add3A_91 : i32
      %add3A_93 = arith.constant 64 : i32
      %add3A_94 = arith.addi %add3A_92, %add3A_93 : i32
      %add3A_95 = vector.broadcast %add3A_94 : i32 to vector<16xi32>
      %add3A_96 = arith.addi %iota3A, %add3A_95 : vector<16xi32>
      %mul3A_97 = arith.constant 20000 : i32
      %mul3A_98 = vector.broadcast %mul3A_97 : i32 to vector<16xi32>
      %mul3A_99 = arith.muli %get3A_90, %mul3A_98 : vector<16xi32>
      %add3A_100 = arith.addi %mul3A_99, %add3A_96 : vector<16xi32>
      %swap3A_101 = arith.constant 0 : i32
      %swap3A_102 = arith.index_cast %swap3A_101 : i32 to index
      %swap3A_103 = arith.constant 64 : index
      %swap3A_104 = tpu.vector_load %arg6[%swap3A_102, %swap3A_103] {strides = array<i32>} : memref<10x80xi32, #tpu.memory_space<vmem>>, vector<1x16xi32>,
      %swap3A_105 = vector.shape_cast %swap3A_104 : vector<1x16xi32> to vector<16xi32>
      %swap3A_106 = vector.shape_cast %add3A_100 : vector<16xi32> to vector<1x16xi32>
      tpu.vector_store %arg6[%swap3A_102, %swap3A_103], %swap3A_106 {strides = array<i32>} : memref<10x80xi32, #tpu.memory_space<vmem>>, vector<1x16xi32>,
      %get3A_107 = arith.constant 80 : index
      %get3A_108 = tpu.vector_load %arg5[%get3A_107] {strides = array<i32>} : memref<800xi32, #tpu.memory_space<vmem>>, vector<16xi32>,
      %get3A_109 = vector.shape_cast %get3A_108 : vector<16xi32> to vector<16xi32>
      %add3A_110 = arith.constant 80 : i32
      %add3A_111 = arith.addi %mul3A_13, %add3A_110 : i32
      %add3A_112 = arith.constant 0 : i32
      %add3A_113 = arith.addi %add3A_111, %add3A_112 : i32
      %add3A_114 = vector.broadcast %add3A_113 : i32 to vector<16xi32>
      %add3A_115 = arith.addi %iota3A, %add3A_114 : vector<16xi32>
      %mul3A_116 = arith.constant 20000 : i32
      %mul3A_117 = vector.broadcast %mul3A_116 : i32 to vector<16xi32>
      %mul3A_118 = arith.muli %get3A_109, %mul3A_117 : vector<16xi32>
      %add3A_119 = arith.addi %mul3A_118, %add3A_115 : vector<16xi32>
      %swap3A_120 = arith.constant 1 : i32
      %swap3A_121 = arith.index_cast %swap3A_120 : i32 to index
      %swap3A_122 = arith.constant 0 : index
      %swap3A_123 = tpu.vector_load %arg6[%swap3A_121, %swap3A_122] {strides = array<i32>} : memref<10x80xi32, #tpu.memory_space<vmem>>, vector<1x16xi32>,
      %swap3A_124 = vector.shape_cast %swap3A_123 : vector<1x16xi32> to vector<16xi32>
      %swap3A_125 = vector.shape_cast %add3A_119 : vector<16xi32> to vector<1x16xi32>
      tpu.vector_store %arg6[%swap3A_121, %swap3A_122], %swap3A_125 {strides = array<i32>} : memref<10x80xi32, #tpu.memory_space<vmem>>, vector<1x16xi32>,
      %get3A_126 = arith.constant 96 : index
      %get3A_127 = tpu.vector_load %arg5[%get3A_126] {strides = array<i32>} : memref<800xi32, #tpu.memory_space<vmem>>, vector<16xi32>,
      %get3A_128 = vector.shape_cast %get3A_127 : vector<16xi32> to vector<16xi32>
      %add3A_129 = arith.constant 80 : i32
      %add3A_130 = arith.addi %mul3A_13, %add3A_129 : i32
      %add3A_131 = arith.constant 16 : i32
      %add3A_132 = arith.addi %add3A_130, %add3A_131 : i32
      %add3A_133 = vector.broadcast %add3A_132 : i32 to vector<16xi32>
      %add3A_134 = arith.addi %iota3A, %add3A_133 : vector<16xi32>
      %mul3A_135 = arith.constant 20000 : i32
      %mul3A_136 = vector.broadcast %mul3A_135 : i32 to vector<16xi32>
      %mul3A_137 = arith.muli %get3A_128, %mul3A_136 : vector<16xi32>
      %add3A_138 = arith.addi %mul3A_137, %add3A_134 : vector<16xi32>
      %swap3A_139 = arith.constant 1 : i32
      %swap3A_140 = arith.index_cast %swap3A_139 : i32 to index
      %swap3A_141 = arith.constant 16 : index
      %swap3A_142 = tpu.vector_load %arg6[%swap3A_140, %swap3A_141] {strides = array<i32>} : memref<10x80xi32, #tpu.memory_space<vmem>>, vector<1x16xi32>,
      %swap3A_143 = vector.shape_cast %swap3A_142 : vector<1x16xi32> to vector<16xi32>
      %swap3A_144 = vector.shape_cast %add3A_138 : vector<16xi32> to vector<1x16xi32>
      tpu.vector_store %arg6[%swap3A_140, %swap3A_141], %swap3A_144 {strides = array<i32>} : memref<10x80xi32, #tpu.memory_space<vmem>>, vector<1x16xi32>,
      %get3A_145 = arith.constant 112 : index
      %get3A_146 = tpu.vector_load %arg5[%get3A_145] {strides = array<i32>} : memref<800xi32, #tpu.memory_space<vmem>>, vector<16xi32>,
      %get3A_147 = vector.shape_cast %get3A_146 : vector<16xi32> to vector<16xi32>
      %add3A_148 = arith.constant 80 : i32
      %add3A_149 = arith.addi %mul3A_13, %add3A_148 : i32
      %add3A_150 = arith.constant 32 : i32
      %add3A_151 = arith.addi %add3A_149, %add3A_150 : i32
      %add3A_152 = vector.broadcast %add3A_151 : i32 to vector<16xi32>
      %add3A_153 = arith.addi %iota3A, %add3A_152 : vector<16xi32>
      %mul3A_154 = arith.constant 20000 : i32
      %mul3A_155 = vector.broadcast %mul3A_154 : i32 to vector<16xi32>
      %mul3A_156 = arith.muli %get3A_147, %mul3A_155 : vector<16xi32>
      %add3A_157 = arith.addi %mul3A_156, %add3A_153 : vector<16xi32>
      %swap3A_158 = arith.constant 1 : i32
      %swap3A_159 = arith.index_cast %swap3A_158 : i32 to index
      %swap3A_160 = arith.constant 32 : index
      %swap3A_161 = tpu.vector_load %arg6[%swap3A_159, %swap3A_160] {strides = array<i32>} : memref<10x80xi32, #tpu.memory_space<vmem>>, vector<1x16xi32>,
      %swap3A_162 = vector.shape_cast %swap3A_161 : vector<1x16xi32> to vector<16xi32>
      %swap3A_163 = vector.shape_cast %add3A_157 : vector<16xi32> to vector<1x16xi32>
      tpu.vector_store %arg6[%swap3A_159, %swap3A_160], %swap3A_163 {strides = array<i32>} : memref<10x80xi32, #tpu.memory_space<vmem>>, vector<1x16xi32>,
      %get3A_164 = arith.constant 128 : index
      %get3A_165 = tpu.vector_load %arg5[%get3A_164] {strides = array<i32>} : memref<800xi32, #tpu.memory_space<vmem>>, vector<16xi32>,
      %get3A_166 = vector.shape_cast %get3A_165 : vector<16xi32> to vector<16xi32>
      %add3A_167 = arith.constant 80 : i32
      %add3A_168 = arith.addi %mul3A_13, %add3A_167 : i32
      %add3A_169 = arith.constant 48 : i32
      %add3A_170 = arith.addi %add3A_168, %add3A_169 : i32
      %add3A_171 = vector.broadcast %add3A_170 : i32 to vector<16xi32>
      %add3A_172 = arith.addi %iota3A, %add3A_171 : vector<16xi32>
      %mul3A_173 = arith.constant 20000 : i32
      %mul3A_174 = vector.broadcast %mul3A_173 : i32 to vector<16xi32>
      %mul3A_175 = arith.muli %get3A_166, %mul3A_174 : vector<16xi32>
      %add3A_176 = arith.addi %mul3A_175, %add3A_172 : vector<16xi32>
      %swap3A_177 = arith.constant 1 : i32
      %swap3A_178 = arith.index_cast %swap3A_177 : i32 to index
      %swap3A_179 = arith.constant 48 : index
      %swap3A_180 = tpu.vector_load %arg6[%swap3A_178, %swap3A_179] {strides = array<i32>} : memref<10x80xi32, #tpu.memory_space<vmem>>, vector<1x16xi32>,
      %swap3A_181 = vector.shape_cast %swap3A_180 : vector<1x16xi32> to vector<16xi32>
      %swap3A_182 = vector.shape_cast %add3A_176 : vector<16xi32> to vector<1x16xi32>
      tpu.vector_store %arg6[%swap3A_178, %swap3A_179], %swap3A_182 {strides = array<i32>} : memref<10x80xi32, #tpu.memory_space<vmem>>, vector<1x16xi32>,
      %get3A_183 = arith.constant 144 : index
      %get3A_184 = tpu.vector_load %arg5[%get3A_183] {strides = array<i32>} : memref<800xi32, #tpu.memory_space<vmem>>, vector<16xi32>,
      %get3A_185 = vector.shape_cast %get3A_184 : vector<16xi32> to vector<16xi32>
      %add3A_186 = arith.constant 80 : i32
      %add3A_187 = arith.addi %mul3A_13, %add3A_186 : i32
      %add3A_188 = arith.constant 64 : i32
      %add3A_189 = arith.addi %add3A_187, %add3A_188 : i32
      %add3A_190 = vector.broadcast %add3A_189 : i32 to vector<16xi32>
      %add3A_191 = arith.addi %iota3A, %add3A_190 : vector<16xi32>
      %mul3A_192 = arith.constant 20000 : i32
      %mul3A_193 = vector.broadcast %mul3A_192 : i32 to vector<16xi32>
      %mul3A_194 = arith.muli %get3A_185, %mul3A_193 : vector<16xi32>
      %add3A_195 = arith.addi %mul3A_194, %add3A_191 : vector<16xi32>
      %swap3A_196 = arith.constant 1 : i32
      %swap3A_197 = arith.index_cast %swap3A_196 : i32 to index
      %swap3A_198 = arith.constant 64 : index
      %swap3A_199 = tpu.vector_load %arg6[%swap3A_197, %swap3A_198] {strides = array<i32>} : memref<10x80xi32, #tpu.memory_space<vmem>>, vector<1x16xi32>,
      %swap3A_200 = vector.shape_cast %swap3A_199 : vector<1x16xi32> to vector<16xi32>
      %swap3A_201 = vector.shape_cast %add3A_195 : vector<16xi32> to vector<1x16xi32>
      tpu.vector_store %arg6[%swap3A_197, %swap3A_198], %swap3A_201 {strides = array<i32>} : memref<10x80xi32, #tpu.memory_space<vmem>>, vector<1x16xi32>,
      %get3A_202 = arith.constant 160 : index
      %get3A_203 = tpu.vector_load %arg5[%get3A_202] {strides = array<i32>} : memref<800xi32, #tpu.memory_space<vmem>>, vector<16xi32>,
      %get3A_204 = vector.shape_cast %get3A_203 : vector<16xi32> to vector<16xi32>
      %add3A_205 = arith.constant 160 : i32
      %add3A_206 = arith.addi %mul3A_13, %add3A_205 : i32
      %add3A_207 = arith.constant 0 : i32
      %add3A_208 = arith.addi %add3A_206, %add3A_207 : i32
      %add3A_209 = vector.broadcast %add3A_208 : i32 to vector<16xi32>
      %add3A_210 = arith.addi %iota3A, %add3A_209 : vector<16xi32>
      %mul3A_211 = arith.constant 20000 : i32
      %mul3A_212 = vector.broadcast %mul3A_211 : i32 to vector<16xi32>
      %mul3A_213 = arith.muli %get3A_204, %mul3A_212 : vector<16xi32>
      %add3A_214 = arith.addi %mul3A_213, %add3A_210 : vector<16xi32>
      %swap3A_215 = arith.constant 2 : i32
      %swap3A_216 = arith.index_cast %swap3A_215 : i32 to index
      %swap3A_217 = arith.constant 0 : index
      %swap3A_218 = tpu.vector_load %arg6[%swap3A_216, %swap3A_217] {strides = array<i32>} : memref<10x80xi32, #tpu.memory_space<vmem>>, vector<1x16xi32>,
      %swap3A_219 = vector.shape_cast %swap3A_218 : vector<1x16xi32> to vector<16xi32>
      %swap3A_220 = vector.shape_cast %add3A_214 : vector<16xi32> to vector<1x16xi32>
      tpu.vector_store %arg6[%swap3A_216, %swap3A_217], %swap3A_220 {strides = array<i32>} : memref<10x80xi32, #tpu.memory_space<vmem>>, vector<1x16xi32>,
      %get3A_221 = arith.constant 176 : index
      %get3A_222 = tpu.vector_load %arg5[%get3A_221] {strides = array<i32>} : memref<800xi32, #tpu.memory_space<vmem>>, vector<16xi32>,
      %get3A_223 = vector.shape_cast %get3A_222 : vector<16xi32> to vector<16xi32>
      %add3A_224 = arith.constant 160 : i32
      %add3A_225 = arith.addi %mul3A_13, %add3A_224 : i32
      %add3A_226 = arith.constant 16 : i32
      %add3A_227 = arith.addi %add3A_225, %add3A_226 : i32
      %add3A_228 = vector.broadcast %add3A_227 : i32 to vector<16xi32>
      %add3A_229 = arith.addi %iota3A, %add3A_228 : vector<16xi32>
      %mul3A_230 = arith.constant 20000 : i32
      %mul3A_231 = vector.broadcast %mul3A_230 : i32 to vector<16xi32>
      %mul3A_232 = arith.muli %get3A_223, %mul3A_231 : vector<16xi32>
      %add3A_233 = arith.addi %mul3A_232, %add3A_229 : vector<16xi32>
      %swap3A_234 = arith.constant 2 : i32
      %swap3A_235 = arith.index_cast %swap3A_234 : i32 to index
      %swap3A_236 = arith.constant 16 : index
      %swap3A_237 = tpu.vector_load %arg6[%swap3A_235, %swap3A_236] {strides = array<i32>} : memref<10x80xi32, #tpu.memory_space<vmem>>, vector<1x16xi32>,
      %swap3A_238 = vector.shape_cast %swap3A_237 : vector<1x16xi32> to vector<16xi32>
      %swap3A_239 = vector.shape_cast %add3A_233 : vector<16xi32> to vector<1x16xi32>
      tpu.vector_store %arg6[%swap3A_235, %swap3A_236], %swap3A_239 {strides = array<i32>} : memref<10x80xi32, #tpu.memory_space<vmem>>, vector<1x16xi32>,
      %get3A_240 = arith.constant 192 : index
      %get3A_241 = tpu.vector_load %arg5[%get3A_240] {strides = array<i32>} : memref<800xi32, #tpu.memory_space<vmem>>, vector<16xi32>,
      %get3A_242 = vector.shape_cast %get3A_241 : vector<16xi32> to vector<16xi32>
      %add3A_243 = arith.constant 160 : i32
      %add3A_244 = arith.addi %mul3A_13, %add3A_243 : i32
      %add3A_245 = arith.constant 32 : i32
      %add3A_246 = arith.addi %add3A_244, %add3A_245 : i32
      %add3A_247 = vector.broadcast %add3A_246 : i32 to vector<16xi32>
      %add3A_248 = arith.addi %iota3A, %add3A_247 : vector<16xi32>
      %mul3A_249 = arith.constant 20000 : i32
      %mul3A_250 = vector.broadcast %mul3A_249 : i32 to vector<16xi32>
      %mul3A_251 = arith.muli %get3A_242, %mul3A_250 : vector<16xi32>
      %add3A_252 = arith.addi %mul3A_251, %add3A_248 : vector<16xi32>
      %swap3A_253 = arith.constant 2 : i32
      %swap3A_254 = arith.index_cast %swap3A_253 : i32 to index
      %swap3A_255 = arith.constant 32 : index
      %swap3A_256 = tpu.vector_load %arg6[%swap3A_254, %swap3A_255] {strides = array<i32>} : memref<10x80xi32, #tpu.memory_space<vmem>>, vector<1x16xi32>,
      %swap3A_257 = vector.shape_cast %swap3A_256 : vector<1x16xi32> to vector<16xi32>
      %swap3A_258 = vector.shape_cast %add3A_252 : vector<16xi32> to vector<1x16xi32>
      tpu.vector_store %arg6[%swap3A_254, %swap3A_255], %swap3A_258 {strides = array<i32>} : memref<10x80xi32, #tpu.memory_space<vmem>>, vector<1x16xi32>,
      %get3A_259 = arith.constant 208 : index
      %get3A_260 = tpu.vector_load %arg5[%get3A_259] {strides = array<i32>} : memref<800xi32, #tpu.memory_space<vmem>>, vector<16xi32>,
      %get3A_261 = vector.shape_cast %get3A_260 : vector<16xi32> to vector<16xi32>
      %add3A_262 = arith.constant 160 : i32
      %add3A_263 = arith.addi %mul3A_13, %add3A_262 : i32
      %add3A_264 = arith.constant 48 : i32
      %add3A_265 = arith.addi %add3A_263, %add3A_264 : i32
      %add3A_266 = vector.broadcast %add3A_265 : i32 to vector<16xi32>
      %add3A_267 = arith.addi %iota3A, %add3A_266 : vector<16xi32>
      %mul3A_268 = arith.constant 20000 : i32
      %mul3A_269 = vector.broadcast %mul3A_268 : i32 to vector<16xi32>
      %mul3A_270 = arith.muli %get3A_261, %mul3A_269 : vector<16xi32>
      %add3A_271 = arith.addi %mul3A_270, %add3A_267 : vector<16xi32>
      %swap3A_272 = arith.constant 2 : i32
      %swap3A_273 = arith.index_cast %swap3A_272 : i32 to index
      %swap3A_274 = arith.constant 48 : index
      %swap3A_275 = tpu.vector_load %arg6[%swap3A_273, %swap3A_274] {strides = array<i32>} : memref<10x80xi32, #tpu.memory_space<vmem>>, vector<1x16xi32>,
      %swap3A_276 = vector.shape_cast %swap3A_275 : vector<1x16xi32> to vector<16xi32>
      %swap3A_277 = vector.shape_cast %add3A_271 : vector<16xi32> to vector<1x16xi32>
      tpu.vector_store %arg6[%swap3A_273, %swap3A_274], %swap3A_277 {strides = array<i32>} : memref<10x80xi32, #tpu.memory_space<vmem>>, vector<1x16xi32>,
      %get3A_278 = arith.constant 224 : index
      %get3A_279 = tpu.vector_load %arg5[%get3A_278] {strides = array<i32>} : memref<800xi32, #tpu.memory_space<vmem>>, vector<16xi32>,
      %get3A_280 = vector.shape_cast %get3A_279 : vector<16xi32> to vector<16xi32>
      %add3A_281 = arith.constant 160 : i32
      %add3A_282 = arith.addi %mul3A_13, %add3A_281 : i32
      %add3A_283 = arith.constant 64 : i32
      %add3A_284 = arith.addi %add3A_282, %add3A_283 : i32
      %add3A_285 = vector.broadcast %add3A_284 : i32 to vector<16xi32>
      %add3A_286 = arith.addi %iota3A, %add3A_285 : vector<16xi32>
      %mul3A_287 = arith.constant 20000 : i32
      %mul3A_288 = vector.broadcast %mul3A_287 : i32 to vector<16xi32>
      %mul3A_289 = arith.muli %get3A_280, %mul3A_288 : vector<16xi32>
      %add3A_290 = arith.addi %mul3A_289, %add3A_286 : vector<16xi32>
      %swap3A_291 = arith.constant 2 : i32
      %swap3A_292 = arith.index_cast %swap3A_291 : i32 to index
      %swap3A_293 = arith.constant 64 : index
      %swap3A_294 = tpu.vector_load %arg6[%swap3A_292, %swap3A_293] {strides = array<i32>} : memref<10x80xi32, #tpu.memory_space<vmem>>, vector<1x16xi32>,
      %swap3A_295 = vector.shape_cast %swap3A_294 : vector<1x16xi32> to vector<16xi32>
      %swap3A_296 = vector.shape_cast %add3A_290 : vector<16xi32> to vector<1x16xi32>
      tpu.vector_store %arg6[%swap3A_292, %swap3A_293], %swap3A_296 {strides = array<i32>} : memref<10x80xi32, #tpu.memory_space<vmem>>, vector<1x16xi32>,
      %get3A_297 = arith.constant 240 : index
      %get3A_298 = tpu.vector_load %arg5[%get3A_297] {strides = array<i32>} : memref<800xi32, #tpu.memory_space<vmem>>, vector<16xi32>,
      %get3A_299 = vector.shape_cast %get3A_298 : vector<16xi32> to vector<16xi32>
      %add3A_300 = arith.constant 240 : i32
      %add3A_301 = arith.addi %mul3A_13, %add3A_300 : i32
      %add3A_302 = arith.constant 0 : i32
      %add3A_303 = arith.addi %add3A_301, %add3A_302 : i32
      %add3A_304 = vector.broadcast %add3A_303 : i32 to vector<16xi32>
      %add3A_305 = arith.addi %iota3A, %add3A_304 : vector<16xi32>
      %mul3A_306 = arith.constant 20000 : i32
      %mul3A_307 = vector.broadcast %mul3A_306 : i32 to vector<16xi32>
      %mul3A_308 = arith.muli %get3A_299, %mul3A_307 : vector<16xi32>
      %add3A_309 = arith.addi %mul3A_308, %add3A_305 : vector<16xi32>
      %swap3A_310 = arith.constant 3 : i32
      %swap3A_311 = arith.index_cast %swap3A_310 : i32 to index
      %swap3A_312 = arith.constant 0 : index
      %swap3A_313 = tpu.vector_load %arg6[%swap3A_311, %swap3A_312] {strides = array<i32>} : memref<10x80xi32, #tpu.memory_space<vmem>>, vector<1x16xi32>,
      %swap3A_314 = vector.shape_cast %swap3A_313 : vector<1x16xi32> to vector<16xi32>
      %swap3A_315 = vector.shape_cast %add3A_309 : vector<16xi32> to vector<1x16xi32>
      tpu.vector_store %arg6[%swap3A_311, %swap3A_312], %swap3A_315 {strides = array<i32>} : memref<10x80xi32, #tpu.memory_space<vmem>>, vector<1x16xi32>,
      %get3A_316 = arith.constant 256 : index
      %get3A_317 = tpu.vector_load %arg5[%get3A_316] {strides = array<i32>} : memref<800xi32, #tpu.memory_space<vmem>>, vector<16xi32>,
      %get3A_318 = vector.shape_cast %get3A_317 : vector<16xi32> to vector<16xi32>
      %add3A_319 = arith.constant 240 : i32
      %add3A_320 = arith.addi %mul3A_13, %add3A_319 : i32
      %add3A_321 = arith.constant 16 : i32
      %add3A_322 = arith.addi %add3A_320, %add3A_321 : i32
      %add3A_323 = vector.broadcast %add3A_322 : i32 to vector<16xi32>
      %add3A_324 = arith.addi %iota3A, %add3A_323 : vector<16xi32>
      %mul3A_325 = arith.constant 20000 : i32
      %mul3A_326 = vector.broadcast %mul3A_325 : i32 to vector<16xi32>
      %mul3A_327 = arith.muli %get3A_318, %mul3A_326 : vector<16xi32>
      %add3A_328 = arith.addi %mul3A_327, %add3A_324 : vector<16xi32>
      %swap3A_329 = arith.constant 3 : i32
      %swap3A_330 = arith.index_cast %swap3A_329 : i32 to index
      %swap3A_331 = arith.constant 16 : index
      %swap3A_332 = tpu.vector_load %arg6[%swap3A_330, %swap3A_331] {strides = array<i32>} : memref<10x80xi32, #tpu.memory_space<vmem>>, vector<1x16xi32>,
      %swap3A_333 = vector.shape_cast %swap3A_332 : vector<1x16xi32> to vector<16xi32>
      %swap3A_334 = vector.shape_cast %add3A_328 : vector<16xi32> to vector<1x16xi32>
      tpu.vector_store %arg6[%swap3A_330, %swap3A_331], %swap3A_334 {strides = array<i32>} : memref<10x80xi32, #tpu.memory_space<vmem>>, vector<1x16xi32>,
      %get3A_335 = arith.constant 272 : index
      %get3A_336 = tpu.vector_load %arg5[%get3A_335] {strides = array<i32>} : memref<800xi32, #tpu.memory_space<vmem>>, vector<16xi32>,
      %get3A_337 = vector.shape_cast %get3A_336 : vector<16xi32> to vector<16xi32>
      %add3A_338 = arith.constant 240 : i32
      %add3A_339 = arith.addi %mul3A_13, %add3A_338 : i32
      %add3A_340 = arith.constant 32 : i32
      %add3A_341 = arith.addi %add3A_339, %add3A_340 : i32
      %add3A_342 = vector.broadcast %add3A_341 : i32 to vector<16xi32>
      %add3A_343 = arith.addi %iota3A, %add3A_342 : vector<16xi32>
      %mul3A_344 = arith.constant 20000 : i32
      %mul3A_345 = vector.broadcast %mul3A_344 : i32 to vector<16xi32>
      %mul3A_346 = arith.muli %get3A_337, %mul3A_345 : vector<16xi32>
      %add3A_347 = arith.addi %mul3A_346, %add3A_343 : vector<16xi32>
      %swap3A_348 = arith.constant 3 : i32
      %swap3A_349 = arith.index_cast %swap3A_348 : i32 to index
      %swap3A_350 = arith.constant 32 : index
      %swap3A_351 = tpu.vector_load %arg6[%swap3A_349, %swap3A_350] {strides = array<i32>} : memref<10x80xi32, #tpu.memory_space<vmem>>, vector<1x16xi32>,
      %swap3A_352 = vector.shape_cast %swap3A_351 : vector<1x16xi32> to vector<16xi32>
      %swap3A_353 = vector.shape_cast %add3A_347 : vector<16xi32> to vector<1x16xi32>
      tpu.vector_store %arg6[%swap3A_349, %swap3A_350], %swap3A_353 {strides = array<i32>} : memref<10x80xi32, #tpu.memory_space<vmem>>, vector<1x16xi32>,
      %get3A_354 = arith.constant 288 : index
      %get3A_355 = tpu.vector_load %arg5[%get3A_354] {strides = array<i32>} : memref<800xi32, #tpu.memory_space<vmem>>, vector<16xi32>,
      %get3A_356 = vector.shape_cast %get3A_355 : vector<16xi32> to vector<16xi32>
      %add3A_357 = arith.constant 240 : i32
      %add3A_358 = arith.addi %mul3A_13, %add3A_357 : i32
      %add3A_359 = arith.constant 48 : i32
      %add3A_360 = arith.addi %add3A_358, %add3A_359 : i32
      %add3A_361 = vector.broadcast %add3A_360 : i32 to vector<16xi32>
      %add3A_362 = arith.addi %iota3A, %add3A_361 : vector<16xi32>
      %mul3A_363 = arith.constant 20000 : i32
      %mul3A_364 = vector.broadcast %mul3A_363 : i32 to vector<16xi32>
      %mul3A_365 = arith.muli %get3A_356, %mul3A_364 : vector<16xi32>
      %add3A_366 = arith.addi %mul3A_365, %add3A_362 : vector<16xi32>
      %swap3A_367 = arith.constant 3 : i32
      %swap3A_368 = arith.index_cast %swap3A_367 : i32 to index
      %swap3A_369 = arith.constant 48 : index
      %swap3A_370 = tpu.vector_load %arg6[%swap3A_368, %swap3A_369] {strides = array<i32>} : memref<10x80xi32, #tpu.memory_space<vmem>>, vector<1x16xi32>,
      %swap3A_371 = vector.shape_cast %swap3A_370 : vector<1x16xi32> to vector<16xi32>
      %swap3A_372 = vector.shape_cast %add3A_366 : vector<16xi32> to vector<1x16xi32>
      tpu.vector_store %arg6[%swap3A_368, %swap3A_369], %swap3A_372 {strides = array<i32>} : memref<10x80xi32, #tpu.memory_space<vmem>>, vector<1x16xi32>,
      %get3A_373 = arith.constant 304 : index
      %get3A_374 = tpu.vector_load %arg5[%get3A_373] {strides = array<i32>} : memref<800xi32, #tpu.memory_space<vmem>>, vector<16xi32>,
      %get3A_375 = vector.shape_cast %get3A_374 : vector<16xi32> to vector<16xi32>
      %add3A_376 = arith.constant 240 : i32
      %add3A_377 = arith.addi %mul3A_13, %add3A_376 : i32
      %add3A_378 = arith.constant 64 : i32
      %add3A_379 = arith.addi %add3A_377, %add3A_378 : i32
      %add3A_380 = vector.broadcast %add3A_379 : i32 to vector<16xi32>
      %add3A_381 = arith.addi %iota3A, %add3A_380 : vector<16xi32>
      %mul3A_382 = arith.constant 20000 : i32
      %mul3A_383 = vector.broadcast %mul3A_382 : i32 to vector<16xi32>
      %mul3A_384 = arith.muli %get3A_375, %mul3A_383 : vector<16xi32>
      %add3A_385 = arith.addi %mul3A_384, %add3A_381 : vector<16xi32>
      %swap3A_386 = arith.constant 3 : i32
      %swap3A_387 = arith.index_cast %swap3A_386 : i32 to index
      %swap3A_388 = arith.constant 64 : index
      %swap3A_389 = tpu.vector_load %arg6[%swap3A_387, %swap3A_388] {strides = array<i32>} : memref<10x80xi32, #tpu.memory_space<vmem>>, vector<1x16xi32>,
      %swap3A_390 = vector.shape_cast %swap3A_389 : vector<1x16xi32> to vector<16xi32>
      %swap3A_391 = vector.shape_cast %add3A_385 : vector<16xi32> to vector<1x16xi32>
      tpu.vector_store %arg6[%swap3A_387, %swap3A_388], %swap3A_391 {strides = array<i32>} : memref<10x80xi32, #tpu.memory_space<vmem>>, vector<1x16xi32>,
      %get3A_392 = arith.constant 320 : index
      %get3A_393 = tpu.vector_load %arg5[%get3A_392] {strides = array<i32>} : memref<800xi32, #tpu.memory_space<vmem>>, vector<16xi32>,
      %get3A_394 = vector.shape_cast %get3A_393 : vector<16xi32> to vector<16xi32>
      %add3A_395 = arith.constant 320 : i32
      %add3A_396 = arith.addi %mul3A_13, %add3A_395 : i32
      %add3A_397 = arith.constant 0 : i32
      %add3A_398 = arith.addi %add3A_396, %add3A_397 : i32
      %add3A_399 = vector.broadcast %add3A_398 : i32 to vector<16xi32>
      %add3A_400 = arith.addi %iota3A, %add3A_399 : vector<16xi32>
      %mul3A_401 = arith.constant 20000 : i32
      %mul3A_402 = vector.broadcast %mul3A_401 : i32 to vector<16xi32>
      %mul3A_403 = arith.muli %get3A_394, %mul3A_402 : vector<16xi32>
      %add3A_404 = arith.addi %mul3A_403, %add3A_400 : vector<16xi32>
      %swap3A_405 = arith.constant 4 : i32
      %swap3A_406 = arith.index_cast %swap3A_405 : i32 to index
      %swap3A_407 = arith.constant 0 : index
      %swap3A_408 = tpu.vector_load %arg6[%swap3A_406, %swap3A_407] {strides = array<i32>} : memref<10x80xi32, #tpu.memory_space<vmem>>, vector<1x16xi32>,
      %swap3A_409 = vector.shape_cast %swap3A_408 : vector<1x16xi32> to vector<16xi32>
      %swap3A_410 = vector.shape_cast %add3A_404 : vector<16xi32> to vector<1x16xi32>
      tpu.vector_store %arg6[%swap3A_406, %swap3A_407], %swap3A_410 {strides = array<i32>} : memref<10x80xi32, #tpu.memory_space<vmem>>, vector<1x16xi32>,
      %get3A_411 = arith.constant 336 : index
      %get3A_412 = tpu.vector_load %arg5[%get3A_411] {strides = array<i32>} : memref<800xi32, #tpu.memory_space<vmem>>, vector<16xi32>,
      %get3A_413 = vector.shape_cast %get3A_412 : vector<16xi32> to vector<16xi32>
      %add3A_414 = arith.constant 320 : i32
      %add3A_415 = arith.addi %mul3A_13, %add3A_414 : i32
      %add3A_416 = arith.constant 16 : i32
      %add3A_417 = arith.addi %add3A_415, %add3A_416 : i32
      %add3A_418 = vector.broadcast %add3A_417 : i32 to vector<16xi32>
      %add3A_419 = arith.addi %iota3A, %add3A_418 : vector<16xi32>
      %mul3A_420 = arith.constant 20000 : i32
      %mul3A_421 = vector.broadcast %mul3A_420 : i32 to vector<16xi32>
      %mul3A_422 = arith.muli %get3A_413, %mul3A_421 : vector<16xi32>
      %add3A_423 = arith.addi %mul3A_422, %add3A_419 : vector<16xi32>
      %swap3A_424 = arith.constant 4 : i32
      %swap3A_425 = arith.index_cast %swap3A_424 : i32 to index
      %swap3A_426 = arith.constant 16 : index
      %swap3A_427 = tpu.vector_load %arg6[%swap3A_425, %swap3A_426] {strides = array<i32>} : memref<10x80xi32, #tpu.memory_space<vmem>>, vector<1x16xi32>,
      %swap3A_428 = vector.shape_cast %swap3A_427 : vector<1x16xi32> to vector<16xi32>
      %swap3A_429 = vector.shape_cast %add3A_423 : vector<16xi32> to vector<1x16xi32>
      tpu.vector_store %arg6[%swap3A_425, %swap3A_426], %swap3A_429 {strides = array<i32>} : memref<10x80xi32, #tpu.memory_space<vmem>>, vector<1x16xi32>,
      %get3A_430 = arith.constant 352 : index
      %get3A_431 = tpu.vector_load %arg5[%get3A_430] {strides = array<i32>} : memref<800xi32, #tpu.memory_space<vmem>>, vector<16xi32>,
      %get3A_432 = vector.shape_cast %get3A_431 : vector<16xi32> to vector<16xi32>
      %add3A_433 = arith.constant 320 : i32
      %add3A_434 = arith.addi %mul3A_13, %add3A_433 : i32
      %add3A_435 = arith.constant 32 : i32
      %add3A_436 = arith.addi %add3A_434, %add3A_435 : i32
      %add3A_437 = vector.broadcast %add3A_436 : i32 to vector<16xi32>
      %add3A_438 = arith.addi %iota3A, %add3A_437 : vector<16xi32>
      %mul3A_439 = arith.constant 20000 : i32
      %mul3A_440 = vector.broadcast %mul3A_439 : i32 to vector<16xi32>
      %mul3A_441 = arith.muli %get3A_432, %mul3A_440 : vector<16xi32>
      %add3A_442 = arith.addi %mul3A_441, %add3A_438 : vector<16xi32>
      %swap3A_443 = arith.constant 4 : i32
      %swap3A_444 = arith.index_cast %swap3A_443 : i32 to index
      %swap3A_445 = arith.constant 32 : index
      %swap3A_446 = tpu.vector_load %arg6[%swap3A_444, %swap3A_445] {strides = array<i32>} : memref<10x80xi32, #tpu.memory_space<vmem>>, vector<1x16xi32>,
      %swap3A_447 = vector.shape_cast %swap3A_446 : vector<1x16xi32> to vector<16xi32>
      %swap3A_448 = vector.shape_cast %add3A_442 : vector<16xi32> to vector<1x16xi32>
      tpu.vector_store %arg6[%swap3A_444, %swap3A_445], %swap3A_448 {strides = array<i32>} : memref<10x80xi32, #tpu.memory_space<vmem>>, vector<1x16xi32>,
      %get3A_449 = arith.constant 368 : index
      %get3A_450 = tpu.vector_load %arg5[%get3A_449] {strides = array<i32>} : memref<800xi32, #tpu.memory_space<vmem>>, vector<16xi32>,
      %get3A_451 = vector.shape_cast %get3A_450 : vector<16xi32> to vector<16xi32>
      %add3A_452 = arith.constant 320 : i32
      %add3A_453 = arith.addi %mul3A_13, %add3A_452 : i32
      %add3A_454 = arith.constant 48 : i32
      %add3A_455 = arith.addi %add3A_453, %add3A_454 : i32
      %add3A_456 = vector.broadcast %add3A_455 : i32 to vector<16xi32>
      %add3A_457 = arith.addi %iota3A, %add3A_456 : vector<16xi32>
      %mul3A_458 = arith.constant 20000 : i32
      %mul3A_459 = vector.broadcast %mul3A_458 : i32 to vector<16xi32>
      %mul3A_460 = arith.muli %get3A_451, %mul3A_459 : vector<16xi32>
      %add3A_461 = arith.addi %mul3A_460, %add3A_457 : vector<16xi32>
      %swap3A_462 = arith.constant 4 : i32
      %swap3A_463 = arith.index_cast %swap3A_462 : i32 to index
      %swap3A_464 = arith.constant 48 : index
      %swap3A_465 = tpu.vector_load %arg6[%swap3A_463, %swap3A_464] {strides = array<i32>} : memref<10x80xi32, #tpu.memory_space<vmem>>, vector<1x16xi32>,
      %swap3A_466 = vector.shape_cast %swap3A_465 : vector<1x16xi32> to vector<16xi32>
      %swap3A_467 = vector.shape_cast %add3A_461 : vector<16xi32> to vector<1x16xi32>
      tpu.vector_store %arg6[%swap3A_463, %swap3A_464], %swap3A_467 {strides = array<i32>} : memref<10x80xi32, #tpu.memory_space<vmem>>, vector<1x16xi32>,
      %get3A_468 = arith.constant 384 : index
      %get3A_469 = tpu.vector_load %arg5[%get3A_468] {strides = array<i32>} : memref<800xi32, #tpu.memory_space<vmem>>, vector<16xi32>,
      %get3A_470 = vector.shape_cast %get3A_469 : vector<16xi32> to vector<16xi32>
      %add3A_471 = arith.constant 320 : i32
      %add3A_472 = arith.addi %mul3A_13, %add3A_471 : i32
      %add3A_473 = arith.constant 64 : i32
      %add3A_474 = arith.addi %add3A_472, %add3A_473 : i32
      %add3A_475 = vector.broadcast %add3A_474 : i32 to vector<16xi32>
      %add3A_476 = arith.addi %iota3A, %add3A_475 : vector<16xi32>
      %mul3A_477 = arith.constant 20000 : i32
      %mul3A_478 = vector.broadcast %mul3A_477 : i32 to vector<16xi32>
      %mul3A_479 = arith.muli %get3A_470, %mul3A_478 : vector<16xi32>
      %add3A_480 = arith.addi %mul3A_479, %add3A_476 : vector<16xi32>
      %swap3A_481 = arith.constant 4 : i32
      %swap3A_482 = arith.index_cast %swap3A_481 : i32 to index
      %swap3A_483 = arith.constant 64 : index
      %swap3A_484 = tpu.vector_load %arg6[%swap3A_482, %swap3A_483] {strides = array<i32>} : memref<10x80xi32, #tpu.memory_space<vmem>>, vector<1x16xi32>,
      %swap3A_485 = vector.shape_cast %swap3A_484 : vector<1x16xi32> to vector<16xi32>
      %swap3A_486 = vector.shape_cast %add3A_480 : vector<16xi32> to vector<1x16xi32>
      tpu.vector_store %arg6[%swap3A_482, %swap3A_483], %swap3A_486 {strides = array<i32>} : memref<10x80xi32, #tpu.memory_space<vmem>>, vector<1x16xi32>,
      %get3A_487 = arith.constant 400 : index
      %get3A_488 = tpu.vector_load %arg5[%get3A_487] {strides = array<i32>} : memref<800xi32, #tpu.memory_space<vmem>>, vector<16xi32>,
      %get3A_489 = vector.shape_cast %get3A_488 : vector<16xi32> to vector<16xi32>
      %add3A_490 = arith.constant 400 : i32
      %add3A_491 = arith.addi %mul3A_13, %add3A_490 : i32
      %add3A_492 = arith.constant 0 : i32
      %add3A_493 = arith.addi %add3A_491, %add3A_492 : i32
      %add3A_494 = vector.broadcast %add3A_493 : i32 to vector<16xi32>
      %add3A_495 = arith.addi %iota3A, %add3A_494 : vector<16xi32>
      %mul3A_496 = arith.constant 20000 : i32
      %mul3A_497 = vector.broadcast %mul3A_496 : i32 to vector<16xi32>
      %mul3A_498 = arith.muli %get3A_489, %mul3A_497 : vector<16xi32>
      %add3A_499 = arith.addi %mul3A_498, %add3A_495 : vector<16xi32>
      %swap3A_500 = arith.constant 5 : i32
      %swap3A_501 = arith.index_cast %swap3A_500 : i32 to index
      %swap3A_502 = arith.constant 0 : index
      %swap3A_503 = tpu.vector_load %arg6[%swap3A_501, %swap3A_502] {strides = array<i32>} : memref<10x80xi32, #tpu.memory_space<vmem>>, vector<1x16xi32>,
      %swap3A_504 = vector.shape_cast %swap3A_503 : vector<1x16xi32> to vector<16xi32>
      %swap3A_505 = vector.shape_cast %add3A_499 : vector<16xi32> to vector<1x16xi32>
      tpu.vector_store %arg6[%swap3A_501, %swap3A_502], %swap3A_505 {strides = array<i32>} : memref<10x80xi32, #tpu.memory_space<vmem>>, vector<1x16xi32>,
      %get3A_506 = arith.constant 416 : index
      %get3A_507 = tpu.vector_load %arg5[%get3A_506] {strides = array<i32>} : memref<800xi32, #tpu.memory_space<vmem>>, vector<16xi32>,
      %get3A_508 = vector.shape_cast %get3A_507 : vector<16xi32> to vector<16xi32>
      %add3A_509 = arith.constant 400 : i32
      %add3A_510 = arith.addi %mul3A_13, %add3A_509 : i32
      %add3A_511 = arith.constant 16 : i32
      %add3A_512 = arith.addi %add3A_510, %add3A_511 : i32
      %add3A_513 = vector.broadcast %add3A_512 : i32 to vector<16xi32>
      %add3A_514 = arith.addi %iota3A, %add3A_513 : vector<16xi32>
      %mul3A_515 = arith.constant 20000 : i32
      %mul3A_516 = vector.broadcast %mul3A_515 : i32 to vector<16xi32>
      %mul3A_517 = arith.muli %get3A_508, %mul3A_516 : vector<16xi32>
      %add3A_518 = arith.addi %mul3A_517, %add3A_514 : vector<16xi32>
      %swap3A_519 = arith.constant 5 : i32
      %swap3A_520 = arith.index_cast %swap3A_519 : i32 to index
      %swap3A_521 = arith.constant 16 : index
      %swap3A_522 = tpu.vector_load %arg6[%swap3A_520, %swap3A_521] {strides = array<i32>} : memref<10x80xi32, #tpu.memory_space<vmem>>, vector<1x16xi32>,
      %swap3A_523 = vector.shape_cast %swap3A_522 : vector<1x16xi32> to vector<16xi32>
      %swap3A_524 = vector.shape_cast %add3A_518 : vector<16xi32> to vector<1x16xi32>
      tpu.vector_store %arg6[%swap3A_520, %swap3A_521], %swap3A_524 {strides = array<i32>} : memref<10x80xi32, #tpu.memory_space<vmem>>, vector<1x16xi32>,
      %get3A_525 = arith.constant 432 : index
      %get3A_526 = tpu.vector_load %arg5[%get3A_525] {strides = array<i32>} : memref<800xi32, #tpu.memory_space<vmem>>, vector<16xi32>,
      %get3A_527 = vector.shape_cast %get3A_526 : vector<16xi32> to vector<16xi32>
      %add3A_528 = arith.constant 400 : i32
      %add3A_529 = arith.addi %mul3A_13, %add3A_528 : i32
      %add3A_530 = arith.constant 32 : i32
      %add3A_531 = arith.addi %add3A_529, %add3A_530 : i32
      %add3A_532 = vector.broadcast %add3A_531 : i32 to vector<16xi32>
      %add3A_533 = arith.addi %iota3A, %add3A_532 : vector<16xi32>
      %mul3A_534 = arith.constant 20000 : i32
      %mul3A_535 = vector.broadcast %mul3A_534 : i32 to vector<16xi32>
      %mul3A_536 = arith.muli %get3A_527, %mul3A_535 : vector<16xi32>
      %add3A_537 = arith.addi %mul3A_536, %add3A_533 : vector<16xi32>
      %swap3A_538 = arith.constant 5 : i32
      %swap3A_539 = arith.index_cast %swap3A_538 : i32 to index
      %swap3A_540 = arith.constant 32 : index
      %swap3A_541 = tpu.vector_load %arg6[%swap3A_539, %swap3A_540] {strides = array<i32>} : memref<10x80xi32, #tpu.memory_space<vmem>>, vector<1x16xi32>,
      %swap3A_542 = vector.shape_cast %swap3A_541 : vector<1x16xi32> to vector<16xi32>
      %swap3A_543 = vector.shape_cast %add3A_537 : vector<16xi32> to vector<1x16xi32>
      tpu.vector_store %arg6[%swap3A_539, %swap3A_540], %swap3A_543 {strides = array<i32>} : memref<10x80xi32, #tpu.memory_space<vmem>>, vector<1x16xi32>,
      %get3A_544 = arith.constant 448 : index
      %get3A_545 = tpu.vector_load %arg5[%get3A_544] {strides = array<i32>} : memref<800xi32, #tpu.memory_space<vmem>>, vector<16xi32>,
      %get3A_546 = vector.shape_cast %get3A_545 : vector<16xi32> to vector<16xi32>
      %add3A_547 = arith.constant 400 : i32
      %add3A_548 = arith.addi %mul3A_13, %add3A_547 : i32
      %add3A_549 = arith.constant 48 : i32
      %add3A_550 = arith.addi %add3A_548, %add3A_549 : i32
      %add3A_551 = vector.broadcast %add3A_550 : i32 to vector<16xi32>
      %add3A_552 = arith.addi %iota3A, %add3A_551 : vector<16xi32>
      %mul3A_553 = arith.constant 20000 : i32
      %mul3A_554 = vector.broadcast %mul3A_553 : i32 to vector<16xi32>
      %mul3A_555 = arith.muli %get3A_546, %mul3A_554 : vector<16xi32>
      %add3A_556 = arith.addi %mul3A_555, %add3A_552 : vector<16xi32>
      %swap3A_557 = arith.constant 5 : i32
      %swap3A_558 = arith.index_cast %swap3A_557 : i32 to index
      %swap3A_559 = arith.constant 48 : index
      %swap3A_560 = tpu.vector_load %arg6[%swap3A_558, %swap3A_559] {strides = array<i32>} : memref<10x80xi32, #tpu.memory_space<vmem>>, vector<1x16xi32>,
      %swap3A_561 = vector.shape_cast %swap3A_560 : vector<1x16xi32> to vector<16xi32>
      %swap3A_562 = vector.shape_cast %add3A_556 : vector<16xi32> to vector<1x16xi32>
      tpu.vector_store %arg6[%swap3A_558, %swap3A_559], %swap3A_562 {strides = array<i32>} : memref<10x80xi32, #tpu.memory_space<vmem>>, vector<1x16xi32>,
      %get3A_563 = arith.constant 464 : index
      %get3A_564 = tpu.vector_load %arg5[%get3A_563] {strides = array<i32>} : memref<800xi32, #tpu.memory_space<vmem>>, vector<16xi32>,
      %get3A_565 = vector.shape_cast %get3A_564 : vector<16xi32> to vector<16xi32>
      %add3A_566 = arith.constant 400 : i32
      %add3A_567 = arith.addi %mul3A_13, %add3A_566 : i32
      %add3A_568 = arith.constant 64 : i32
      %add3A_569 = arith.addi %add3A_567, %add3A_568 : i32
      %add3A_570 = vector.broadcast %add3A_569 : i32 to vector<16xi32>
      %add3A_571 = arith.addi %iota3A, %add3A_570 : vector<16xi32>
      %mul3A_572 = arith.constant 20000 : i32
      %mul3A_573 = vector.broadcast %mul3A_572 : i32 to vector<16xi32>
      %mul3A_574 = arith.muli %get3A_565, %mul3A_573 : vector<16xi32>
      %add3A_575 = arith.addi %mul3A_574, %add3A_571 : vector<16xi32>
      %swap3A_576 = arith.constant 5 : i32
      %swap3A_577 = arith.index_cast %swap3A_576 : i32 to index
      %swap3A_578 = arith.constant 64 : index
      %swap3A_579 = tpu.vector_load %arg6[%swap3A_577, %swap3A_578] {strides = array<i32>} : memref<10x80xi32, #tpu.memory_space<vmem>>, vector<1x16xi32>,
      %swap3A_580 = vector.shape_cast %swap3A_579 : vector<1x16xi32> to vector<16xi32>
      %swap3A_581 = vector.shape_cast %add3A_575 : vector<16xi32> to vector<1x16xi32>
      tpu.vector_store %arg6[%swap3A_577, %swap3A_578], %swap3A_581 {strides = array<i32>} : memref<10x80xi32, #tpu.memory_space<vmem>>, vector<1x16xi32>,
      %get3A_582 = arith.constant 480 : index
      %get3A_583 = tpu.vector_load %arg5[%get3A_582] {strides = array<i32>} : memref<800xi32, #tpu.memory_space<vmem>>, vector<16xi32>,
      %get3A_584 = vector.shape_cast %get3A_583 : vector<16xi32> to vector<16xi32>
      %add3A_585 = arith.constant 480 : i32
      %add3A_586 = arith.addi %mul3A_13, %add3A_585 : i32
      %add3A_587 = arith.constant 0 : i32
      %add3A_588 = arith.addi %add3A_586, %add3A_587 : i32
      %add3A_589 = vector.broadcast %add3A_588 : i32 to vector<16xi32>
      %add3A_590 = arith.addi %iota3A, %add3A_589 : vector<16xi32>
      %mul3A_591 = arith.constant 20000 : i32
      %mul3A_592 = vector.broadcast %mul3A_591 : i32 to vector<16xi32>
      %mul3A_593 = arith.muli %get3A_584, %mul3A_592 : vector<16xi32>
      %add3A_594 = arith.addi %mul3A_593, %add3A_590 : vector<16xi32>
      %swap3A_595 = arith.constant 6 : i32
      %swap3A_596 = arith.index_cast %swap3A_595 : i32 to index
      %swap3A_597 = arith.constant 0 : index
      %swap3A_598 = tpu.vector_load %arg6[%swap3A_596, %swap3A_597] {strides = array<i32>} : memref<10x80xi32, #tpu.memory_space<vmem>>, vector<1x16xi32>,
      %swap3A_599 = vector.shape_cast %swap3A_598 : vector<1x16xi32> to vector<16xi32>
      %swap3A_600 = vector.shape_cast %add3A_594 : vector<16xi32> to vector<1x16xi32>
      tpu.vector_store %arg6[%swap3A_596, %swap3A_597], %swap3A_600 {strides = array<i32>} : memref<10x80xi32, #tpu.memory_space<vmem>>, vector<1x16xi32>,
      %get3A_601 = arith.constant 496 : index
      %get3A_602 = tpu.vector_load %arg5[%get3A_601] {strides = array<i32>} : memref<800xi32, #tpu.memory_space<vmem>>, vector<16xi32>,
      %get3A_603 = vector.shape_cast %get3A_602 : vector<16xi32> to vector<16xi32>
      %add3A_604 = arith.constant 480 : i32
      %add3A_605 = arith.addi %mul3A_13, %add3A_604 : i32
      %add3A_606 = arith.constant 16 : i32
      %add3A_607 = arith.addi %add3A_605, %add3A_606 : i32
      %add3A_608 = vector.broadcast %add3A_607 : i32 to vector<16xi32>
      %add3A_609 = arith.addi %iota3A, %add3A_608 : vector<16xi32>
      %mul3A_610 = arith.constant 20000 : i32
      %mul3A_611 = vector.broadcast %mul3A_610 : i32 to vector<16xi32>
      %mul3A_612 = arith.muli %get3A_603, %mul3A_611 : vector<16xi32>
      %add3A_613 = arith.addi %mul3A_612, %add3A_609 : vector<16xi32>
      %swap3A_614 = arith.constant 6 : i32
      %swap3A_615 = arith.index_cast %swap3A_614 : i32 to index
      %swap3A_616 = arith.constant 16 : index
      %swap3A_617 = tpu.vector_load %arg6[%swap3A_615, %swap3A_616] {strides = array<i32>} : memref<10x80xi32, #tpu.memory_space<vmem>>, vector<1x16xi32>,
      %swap3A_618 = vector.shape_cast %swap3A_617 : vector<1x16xi32> to vector<16xi32>
      %swap3A_619 = vector.shape_cast %add3A_613 : vector<16xi32> to vector<1x16xi32>
      tpu.vector_store %arg6[%swap3A_615, %swap3A_616], %swap3A_619 {strides = array<i32>} : memref<10x80xi32, #tpu.memory_space<vmem>>, vector<1x16xi32>,
      %get3A_620 = arith.constant 512 : index
      %get3A_621 = tpu.vector_load %arg5[%get3A_620] {strides = array<i32>} : memref<800xi32, #tpu.memory_space<vmem>>, vector<16xi32>,
      %get3A_622 = vector.shape_cast %get3A_621 : vector<16xi32> to vector<16xi32>
      %add3A_623 = arith.constant 480 : i32
      %add3A_624 = arith.addi %mul3A_13, %add3A_623 : i32
      %add3A_625 = arith.constant 32 : i32
      %add3A_626 = arith.addi %add3A_624, %add3A_625 : i32
      %add3A_627 = vector.broadcast %add3A_626 : i32 to vector<16xi32>
      %add3A_628 = arith.addi %iota3A, %add3A_627 : vector<16xi32>
      %mul3A_629 = arith.constant 20000 : i32
      %mul3A_630 = vector.broadcast %mul3A_629 : i32 to vector<16xi32>
      %mul3A_631 = arith.muli %get3A_622, %mul3A_630 : vector<16xi32>
      %add3A_632 = arith.addi %mul3A_631, %add3A_628 : vector<16xi32>
      %swap3A_633 = arith.constant 6 : i32
      %swap3A_634 = arith.index_cast %swap3A_633 : i32 to index
      %swap3A_635 = arith.constant 32 : index
      %swap3A_636 = tpu.vector_load %arg6[%swap3A_634, %swap3A_635] {strides = array<i32>} : memref<10x80xi32, #tpu.memory_space<vmem>>, vector<1x16xi32>,
      %swap3A_637 = vector.shape_cast %swap3A_636 : vector<1x16xi32> to vector<16xi32>
      %swap3A_638 = vector.shape_cast %add3A_632 : vector<16xi32> to vector<1x16xi32>
      tpu.vector_store %arg6[%swap3A_634, %swap3A_635], %swap3A_638 {strides = array<i32>} : memref<10x80xi32, #tpu.memory_space<vmem>>, vector<1x16xi32>,
      %get3A_639 = arith.constant 528 : index
      %get3A_640 = tpu.vector_load %arg5[%get3A_639] {strides = array<i32>} : memref<800xi32, #tpu.memory_space<vmem>>, vector<16xi32>,
      %get3A_641 = vector.shape_cast %get3A_640 : vector<16xi32> to vector<16xi32>
      %add3A_642 = arith.constant 480 : i32
      %add3A_643 = arith.addi %mul3A_13, %add3A_642 : i32
      %add3A_644 = arith.constant 48 : i32
      %add3A_645 = arith.addi %add3A_643, %add3A_644 : i32
      %add3A_646 = vector.broadcast %add3A_645 : i32 to vector<16xi32>
      %add3A_647 = arith.addi %iota3A, %add3A_646 : vector<16xi32>
      %mul3A_648 = arith.constant 20000 : i32
      %mul3A_649 = vector.broadcast %mul3A_648 : i32 to vector<16xi32>
      %mul3A_650 = arith.muli %get3A_641, %mul3A_649 : vector<16xi32>
      %add3A_651 = arith.addi %mul3A_650, %add3A_647 : vector<16xi32>
      %swap3A_652 = arith.constant 6 : i32
      %swap3A_653 = arith.index_cast %swap3A_652 : i32 to index
      %swap3A_654 = arith.constant 48 : index
      %swap3A_655 = tpu.vector_load %arg6[%swap3A_653, %swap3A_654] {strides = array<i32>} : memref<10x80xi32, #tpu.memory_space<vmem>>, vector<1x16xi32>,
      %swap3A_656 = vector.shape_cast %swap3A_655 : vector<1x16xi32> to vector<16xi32>
      %swap3A_657 = vector.shape_cast %add3A_651 : vector<16xi32> to vector<1x16xi32>
      tpu.vector_store %arg6[%swap3A_653, %swap3A_654], %swap3A_657 {strides = array<i32>} : memref<10x80xi32, #tpu.memory_space<vmem>>, vector<1x16xi32>,
      %get3A_658 = arith.constant 544 : index
      %get3A_659 = tpu.vector_load %arg5[%get3A_658] {strides = array<i32>} : memref<800xi32, #tpu.memory_space<vmem>>, vector<16xi32>,
      %get3A_660 = vector.shape_cast %get3A_659 : vector<16xi32> to vector<16xi32>
      %add3A_661 = arith.constant 480 : i32
      %add3A_662 = arith.addi %mul3A_13, %add3A_661 : i32
      %add3A_663 = arith.constant 64 : i32
      %add3A_664 = arith.addi %add3A_662, %add3A_663 : i32
      %add3A_665 = vector.broadcast %add3A_664 : i32 to vector<16xi32>
      %add3A_666 = arith.addi %iota3A, %add3A_665 : vector<16xi32>
      %mul3A_667 = arith.constant 20000 : i32
      %mul3A_668 = vector.broadcast %mul3A_667 : i32 to vector<16xi32>
      %mul3A_669 = arith.muli %get3A_660, %mul3A_668 : vector<16xi32>
      %add3A_670 = arith.addi %mul3A_669, %add3A_666 : vector<16xi32>
      %swap3A_671 = arith.constant 6 : i32
      %swap3A_672 = arith.index_cast %swap3A_671 : i32 to index
      %swap3A_673 = arith.constant 64 : index
      %swap3A_674 = tpu.vector_load %arg6[%swap3A_672, %swap3A_673] {strides = array<i32>} : memref<10x80xi32, #tpu.memory_space<vmem>>, vector<1x16xi32>,
      %swap3A_675 = vector.shape_cast %swap3A_674 : vector<1x16xi32> to vector<16xi32>
      %swap3A_676 = vector.shape_cast %add3A_670 : vector<16xi32> to vector<1x16xi32>
      tpu.vector_store %arg6[%swap3A_672, %swap3A_673], %swap3A_676 {strides = array<i32>} : memref<10x80xi32, #tpu.memory_space<vmem>>, vector<1x16xi32>,
      %get3A_677 = arith.constant 560 : index
      %get3A_678 = tpu.vector_load %arg5[%get3A_677] {strides = array<i32>} : memref<800xi32, #tpu.memory_space<vmem>>, vector<16xi32>,
      %get3A_679 = vector.shape_cast %get3A_678 : vector<16xi32> to vector<16xi32>
      %add3A_680 = arith.constant 560 : i32
      %add3A_681 = arith.addi %mul3A_13, %add3A_680 : i32
      %add3A_682 = arith.constant 0 : i32
      %add3A_683 = arith.addi %add3A_681, %add3A_682 : i32
      %add3A_684 = vector.broadcast %add3A_683 : i32 to vector<16xi32>
      %add3A_685 = arith.addi %iota3A, %add3A_684 : vector<16xi32>
      %mul3A_686 = arith.constant 20000 : i32
      %mul3A_687 = vector.broadcast %mul3A_686 : i32 to vector<16xi32>
      %mul3A_688 = arith.muli %get3A_679, %mul3A_687 : vector<16xi32>
      %add3A_689 = arith.addi %mul3A_688, %add3A_685 : vector<16xi32>
      %swap3A_690 = arith.constant 7 : i32
      %swap3A_691 = arith.index_cast %swap3A_690 : i32 to index
      %swap3A_692 = arith.constant 0 : index
      %swap3A_693 = tpu.vector_load %arg6[%swap3A_691, %swap3A_692] {strides = array<i32>} : memref<10x80xi32, #tpu.memory_space<vmem>>, vector<1x16xi32>,
      %swap3A_694 = vector.shape_cast %swap3A_693 : vector<1x16xi32> to vector<16xi32>
      %swap3A_695 = vector.shape_cast %add3A_689 : vector<16xi32> to vector<1x16xi32>
      tpu.vector_store %arg6[%swap3A_691, %swap3A_692], %swap3A_695 {strides = array<i32>} : memref<10x80xi32, #tpu.memory_space<vmem>>, vector<1x16xi32>,
      %get3A_696 = arith.constant 576 : index
      %get3A_697 = tpu.vector_load %arg5[%get3A_696] {strides = array<i32>} : memref<800xi32, #tpu.memory_space<vmem>>, vector<16xi32>,
      %get3A_698 = vector.shape_cast %get3A_697 : vector<16xi32> to vector<16xi32>
      %add3A_699 = arith.constant 560 : i32
      %add3A_700 = arith.addi %mul3A_13, %add3A_699 : i32
      %add3A_701 = arith.constant 16 : i32
      %add3A_702 = arith.addi %add3A_700, %add3A_701 : i32
      %add3A_703 = vector.broadcast %add3A_702 : i32 to vector<16xi32>
      %add3A_704 = arith.addi %iota3A, %add3A_703 : vector<16xi32>
      %mul3A_705 = arith.constant 20000 : i32
      %mul3A_706 = vector.broadcast %mul3A_705 : i32 to vector<16xi32>
      %mul3A_707 = arith.muli %get3A_698, %mul3A_706 : vector<16xi32>
      %add3A_708 = arith.addi %mul3A_707, %add3A_704 : vector<16xi32>
      %swap3A_709 = arith.constant 7 : i32
      %swap3A_710 = arith.index_cast %swap3A_709 : i32 to index
      %swap3A_711 = arith.constant 16 : index
      %swap3A_712 = tpu.vector_load %arg6[%swap3A_710, %swap3A_711] {strides = array<i32>} : memref<10x80xi32, #tpu.memory_space<vmem>>, vector<1x16xi32>,
      %swap3A_713 = vector.shape_cast %swap3A_712 : vector<1x16xi32> to vector<16xi32>
      %swap3A_714 = vector.shape_cast %add3A_708 : vector<16xi32> to vector<1x16xi32>
      tpu.vector_store %arg6[%swap3A_710, %swap3A_711], %swap3A_714 {strides = array<i32>} : memref<10x80xi32, #tpu.memory_space<vmem>>, vector<1x16xi32>,
      %get3A_715 = arith.constant 592 : index
      %get3A_716 = tpu.vector_load %arg5[%get3A_715] {strides = array<i32>} : memref<800xi32, #tpu.memory_space<vmem>>, vector<16xi32>,
      %get3A_717 = vector.shape_cast %get3A_716 : vector<16xi32> to vector<16xi32>
      %add3A_718 = arith.constant 560 : i32
      %add3A_719 = arith.addi %mul3A_13, %add3A_718 : i32
      %add3A_720 = arith.constant 32 : i32
      %add3A_721 = arith.addi %add3A_719, %add3A_720 : i32
      %add3A_722 = vector.broadcast %add3A_721 : i32 to vector<16xi32>
      %add3A_723 = arith.addi %iota3A, %add3A_722 : vector<16xi32>
      %mul3A_724 = arith.constant 20000 : i32
      %mul3A_725 = vector.broadcast %mul3A_724 : i32 to vector<16xi32>
      %mul3A_726 = arith.muli %get3A_717, %mul3A_725 : vector<16xi32>
      %add3A_727 = arith.addi %mul3A_726, %add3A_723 : vector<16xi32>
      %swap3A_728 = arith.constant 7 : i32
      %swap3A_729 = arith.index_cast %swap3A_728 : i32 to index
      %swap3A_730 = arith.constant 32 : index
      %swap3A_731 = tpu.vector_load %arg6[%swap3A_729, %swap3A_730] {strides = array<i32>} : memref<10x80xi32, #tpu.memory_space<vmem>>, vector<1x16xi32>,
      %swap3A_732 = vector.shape_cast %swap3A_731 : vector<1x16xi32> to vector<16xi32>
      %swap3A_733 = vector.shape_cast %add3A_727 : vector<16xi32> to vector<1x16xi32>
      tpu.vector_store %arg6[%swap3A_729, %swap3A_730], %swap3A_733 {strides = array<i32>} : memref<10x80xi32, #tpu.memory_space<vmem>>, vector<1x16xi32>,
      %get3A_734 = arith.constant 608 : index
      %get3A_735 = tpu.vector_load %arg5[%get3A_734] {strides = array<i32>} : memref<800xi32, #tpu.memory_space<vmem>>, vector<16xi32>,
      %get3A_736 = vector.shape_cast %get3A_735 : vector<16xi32> to vector<16xi32>
      %add3A_737 = arith.constant 560 : i32
      %add3A_738 = arith.addi %mul3A_13, %add3A_737 : i32
      %add3A_739 = arith.constant 48 : i32
      %add3A_740 = arith.addi %add3A_738, %add3A_739 : i32
      %add3A_741 = vector.broadcast %add3A_740 : i32 to vector<16xi32>
      %add3A_742 = arith.addi %iota3A, %add3A_741 : vector<16xi32>
      %mul3A_743 = arith.constant 20000 : i32
      %mul3A_744 = vector.broadcast %mul3A_743 : i32 to vector<16xi32>
      %mul3A_745 = arith.muli %get3A_736, %mul3A_744 : vector<16xi32>
      %add3A_746 = arith.addi %mul3A_745, %add3A_742 : vector<16xi32>
      %swap3A_747 = arith.constant 7 : i32
      %swap3A_748 = arith.index_cast %swap3A_747 : i32 to index
      %swap3A_749 = arith.constant 48 : index
      %swap3A_750 = tpu.vector_load %arg6[%swap3A_748, %swap3A_749] {strides = array<i32>} : memref<10x80xi32, #tpu.memory_space<vmem>>, vector<1x16xi32>,
      %swap3A_751 = vector.shape_cast %swap3A_750 : vector<1x16xi32> to vector<16xi32>
      %swap3A_752 = vector.shape_cast %add3A_746 : vector<16xi32> to vector<1x16xi32>
      tpu.vector_store %arg6[%swap3A_748, %swap3A_749], %swap3A_752 {strides = array<i32>} : memref<10x80xi32, #tpu.memory_space<vmem>>, vector<1x16xi32>,
      %get3A_753 = arith.constant 624 : index
      %get3A_754 = tpu.vector_load %arg5[%get3A_753] {strides = array<i32>} : memref<800xi32, #tpu.memory_space<vmem>>, vector<16xi32>,
      %get3A_755 = vector.shape_cast %get3A_754 : vector<16xi32> to vector<16xi32>
      %add3A_756 = arith.constant 560 : i32
      %add3A_757 = arith.addi %mul3A_13, %add3A_756 : i32
      %add3A_758 = arith.constant 64 : i32
      %add3A_759 = arith.addi %add3A_757, %add3A_758 : i32
      %add3A_760 = vector.broadcast %add3A_759 : i32 to vector<16xi32>
      %add3A_761 = arith.addi %iota3A, %add3A_760 : vector<16xi32>
      %mul3A_762 = arith.constant 20000 : i32
      %mul3A_763 = vector.broadcast %mul3A_762 : i32 to vector<16xi32>
      %mul3A_764 = arith.muli %get3A_755, %mul3A_763 : vector<16xi32>
      %add3A_765 = arith.addi %mul3A_764, %add3A_761 : vector<16xi32>
      %swap3A_766 = arith.constant 7 : i32
      %swap3A_767 = arith.index_cast %swap3A_766 : i32 to index
      %swap3A_768 = arith.constant 64 : index
      %swap3A_769 = tpu.vector_load %arg6[%swap3A_767, %swap3A_768] {strides = array<i32>} : memref<10x80xi32, #tpu.memory_space<vmem>>, vector<1x16xi32>,
      %swap3A_770 = vector.shape_cast %swap3A_769 : vector<1x16xi32> to vector<16xi32>
      %swap3A_771 = vector.shape_cast %add3A_765 : vector<16xi32> to vector<1x16xi32>
      tpu.vector_store %arg6[%swap3A_767, %swap3A_768], %swap3A_771 {strides = array<i32>} : memref<10x80xi32, #tpu.memory_space<vmem>>, vector<1x16xi32>,
      %get3A_772 = arith.constant 640 : index
      %get3A_773 = tpu.vector_load %arg5[%get3A_772] {strides = array<i32>} : memref<800xi32, #tpu.memory_space<vmem>>, vector<16xi32>,
      %get3A_774 = vector.shape_cast %get3A_773 : vector<16xi32> to vector<16xi32>
      %add3A_775 = arith.constant 640 : i32
      %add3A_776 = arith.addi %mul3A_13, %add3A_775 : i32
      %add3A_777 = arith.constant 0 : i32
      %add3A_778 = arith.addi %add3A_776, %add3A_777 : i32
      %add3A_779 = vector.broadcast %add3A_778 : i32 to vector<16xi32>
      %add3A_780 = arith.addi %iota3A, %add3A_779 : vector<16xi32>
      %mul3A_781 = arith.constant 20000 : i32
      %mul3A_782 = vector.broadcast %mul3A_781 : i32 to vector<16xi32>
      %mul3A_783 = arith.muli %get3A_774, %mul3A_782 : vector<16xi32>
      %add3A_784 = arith.addi %mul3A_783, %add3A_780 : vector<16xi32>
      %swap3A_785 = arith.constant 8 : i32
      %swap3A_786 = arith.index_cast %swap3A_785 : i32 to index
      %swap3A_787 = arith.constant 0 : index
      %swap3A_788 = tpu.vector_load %arg6[%swap3A_786, %swap3A_787] {strides = array<i32>} : memref<10x80xi32, #tpu.memory_space<vmem>>, vector<1x16xi32>,
      %swap3A_789 = vector.shape_cast %swap3A_788 : vector<1x16xi32> to vector<16xi32>
      %swap3A_790 = vector.shape_cast %add3A_784 : vector<16xi32> to vector<1x16xi32>
      tpu.vector_store %arg6[%swap3A_786, %swap3A_787], %swap3A_790 {strides = array<i32>} : memref<10x80xi32, #tpu.memory_space<vmem>>, vector<1x16xi32>,
      %get3A_791 = arith.constant 656 : index
      %get3A_792 = tpu.vector_load %arg5[%get3A_791] {strides = array<i32>} : memref<800xi32, #tpu.memory_space<vmem>>, vector<16xi32>,
      %get3A_793 = vector.shape_cast %get3A_792 : vector<16xi32> to vector<16xi32>
      %add3A_794 = arith.constant 640 : i32
      %add3A_795 = arith.addi %mul3A_13, %add3A_794 : i32
      %add3A_796 = arith.constant 16 : i32
      %add3A_797 = arith.addi %add3A_795, %add3A_796 : i32
      %add3A_798 = vector.broadcast %add3A_797 : i32 to vector<16xi32>
      %add3A_799 = arith.addi %iota3A, %add3A_798 : vector<16xi32>
      %mul3A_800 = arith.constant 20000 : i32
      %mul3A_801 = vector.broadcast %mul3A_800 : i32 to vector<16xi32>
      %mul3A_802 = arith.muli %get3A_793, %mul3A_801 : vector<16xi32>
      %add3A_803 = arith.addi %mul3A_802, %add3A_799 : vector<16xi32>
      %swap3A_804 = arith.constant 8 : i32
      %swap3A_805 = arith.index_cast %swap3A_804 : i32 to index
      %swap3A_806 = arith.constant 16 : index
      %swap3A_807 = tpu.vector_load %arg6[%swap3A_805, %swap3A_806] {strides = array<i32>} : memref<10x80xi32, #tpu.memory_space<vmem>>, vector<1x16xi32>,
      %swap3A_808 = vector.shape_cast %swap3A_807 : vector<1x16xi32> to vector<16xi32>
      %swap3A_809 = vector.shape_cast %add3A_803 : vector<16xi32> to vector<1x16xi32>
      tpu.vector_store %arg6[%swap3A_805, %swap3A_806], %swap3A_809 {strides = array<i32>} : memref<10x80xi32, #tpu.memory_space<vmem>>, vector<1x16xi32>,
      %get3A_810 = arith.constant 672 : index
      %get3A_811 = tpu.vector_load %arg5[%get3A_810] {strides = array<i32>} : memref<800xi32, #tpu.memory_space<vmem>>, vector<16xi32>,
      %get3A_812 = vector.shape_cast %get3A_811 : vector<16xi32> to vector<16xi32>
      %add3A_813 = arith.constant 640 : i32
      %add3A_814 = arith.addi %mul3A_13, %add3A_813 : i32
      %add3A_815 = arith.constant 32 : i32
      %add3A_816 = arith.addi %add3A_814, %add3A_815 : i32
      %add3A_817 = vector.broadcast %add3A_816 : i32 to vector<16xi32>
      %add3A_818 = arith.addi %iota3A, %add3A_817 : vector<16xi32>
      %mul3A_819 = arith.constant 20000 : i32
      %mul3A_820 = vector.broadcast %mul3A_819 : i32 to vector<16xi32>
      %mul3A_821 = arith.muli %get3A_812, %mul3A_820 : vector<16xi32>
      %add3A_822 = arith.addi %mul3A_821, %add3A_818 : vector<16xi32>
      %swap3A_823 = arith.constant 8 : i32
      %swap3A_824 = arith.index_cast %swap3A_823 : i32 to index
      %swap3A_825 = arith.constant 32 : index
      %swap3A_826 = tpu.vector_load %arg6[%swap3A_824, %swap3A_825] {strides = array<i32>} : memref<10x80xi32, #tpu.memory_space<vmem>>, vector<1x16xi32>,
      %swap3A_827 = vector.shape_cast %swap3A_826 : vector<1x16xi32> to vector<16xi32>
      %swap3A_828 = vector.shape_cast %add3A_822 : vector<16xi32> to vector<1x16xi32>
      tpu.vector_store %arg6[%swap3A_824, %swap3A_825], %swap3A_828 {strides = array<i32>} : memref<10x80xi32, #tpu.memory_space<vmem>>, vector<1x16xi32>,
      %get3A_829 = arith.constant 688 : index
      %get3A_830 = tpu.vector_load %arg5[%get3A_829] {strides = array<i32>} : memref<800xi32, #tpu.memory_space<vmem>>, vector<16xi32>,
      %get3A_831 = vector.shape_cast %get3A_830 : vector<16xi32> to vector<16xi32>
      %add3A_832 = arith.constant 640 : i32
      %add3A_833 = arith.addi %mul3A_13, %add3A_832 : i32
      %add3A_834 = arith.constant 48 : i32
      %add3A_835 = arith.addi %add3A_833, %add3A_834 : i32
      %add3A_836 = vector.broadcast %add3A_835 : i32 to vector<16xi32>
      %add3A_837 = arith.addi %iota3A, %add3A_836 : vector<16xi32>
      %mul3A_838 = arith.constant 20000 : i32
      %mul3A_839 = vector.broadcast %mul3A_838 : i32 to vector<16xi32>
      %mul3A_840 = arith.muli %get3A_831, %mul3A_839 : vector<16xi32>
      %add3A_841 = arith.addi %mul3A_840, %add3A_837 : vector<16xi32>
      %swap3A_842 = arith.constant 8 : i32
      %swap3A_843 = arith.index_cast %swap3A_842 : i32 to index
      %swap3A_844 = arith.constant 48 : index
      %swap3A_845 = tpu.vector_load %arg6[%swap3A_843, %swap3A_844] {strides = array<i32>} : memref<10x80xi32, #tpu.memory_space<vmem>>, vector<1x16xi32>,
      %swap3A_846 = vector.shape_cast %swap3A_845 : vector<1x16xi32> to vector<16xi32>
      %swap3A_847 = vector.shape_cast %add3A_841 : vector<16xi32> to vector<1x16xi32>
      tpu.vector_store %arg6[%swap3A_843, %swap3A_844], %swap3A_847 {strides = array<i32>} : memref<10x80xi32, #tpu.memory_space<vmem>>, vector<1x16xi32>,
      %get3A_848 = arith.constant 704 : index
      %get3A_849 = tpu.vector_load %arg5[%get3A_848] {strides = array<i32>} : memref<800xi32, #tpu.memory_space<vmem>>, vector<16xi32>,
      %get3A_850 = vector.shape_cast %get3A_849 : vector<16xi32> to vector<16xi32>
      %add3A_851 = arith.constant 640 : i32
      %add3A_852 = arith.addi %mul3A_13, %add3A_851 : i32
      %add3A_853 = arith.constant 64 : i32
      %add3A_854 = arith.addi %add3A_852, %add3A_853 : i32
      %add3A_855 = vector.broadcast %add3A_854 : i32 to vector<16xi32>
      %add3A_856 = arith.addi %iota3A, %add3A_855 : vector<16xi32>
      %mul3A_857 = arith.constant 20000 : i32
      %mul3A_858 = vector.broadcast %mul3A_857 : i32 to vector<16xi32>
      %mul3A_859 = arith.muli %get3A_850, %mul3A_858 : vector<16xi32>
      %add3A_860 = arith.addi %mul3A_859, %add3A_856 : vector<16xi32>
      %swap3A_861 = arith.constant 8 : i32
      %swap3A_862 = arith.index_cast %swap3A_861 : i32 to index
      %swap3A_863 = arith.constant 64 : index
      %swap3A_864 = tpu.vector_load %arg6[%swap3A_862, %swap3A_863] {strides = array<i32>} : memref<10x80xi32, #tpu.memory_space<vmem>>, vector<1x16xi32>,
      %swap3A_865 = vector.shape_cast %swap3A_864 : vector<1x16xi32> to vector<16xi32>
      %swap3A_866 = vector.shape_cast %add3A_860 : vector<16xi32> to vector<1x16xi32>
      tpu.vector_store %arg6[%swap3A_862, %swap3A_863], %swap3A_866 {strides = array<i32>} : memref<10x80xi32, #tpu.memory_space<vmem>>, vector<1x16xi32>,
      %get3A_867 = arith.constant 720 : index
      %get3A_868 = tpu.vector_load %arg5[%get3A_867] {strides = array<i32>} : memref<800xi32, #tpu.memory_space<vmem>>, vector<16xi32>,
      %get3A_869 = vector.shape_cast %get3A_868 : vector<16xi32> to vector<16xi32>
      %add3A_870 = arith.constant 720 : i32
      %add3A_871 = arith.addi %mul3A_13, %add3A_870 : i32
      %add3A_872 = arith.constant 0 : i32
      %add3A_873 = arith.addi %add3A_871, %add3A_872 : i32
      %add3A_874 = vector.broadcast %add3A_873 : i32 to vector<16xi32>
      %add3A_875 = arith.addi %iota3A, %add3A_874 : vector<16xi32>
      %mul3A_876 = arith.constant 20000 : i32
      %mul3A_877 = vector.broadcast %mul3A_876 : i32 to vector<16xi32>
      %mul3A_878 = arith.muli %get3A_869, %mul3A_877 : vector<16xi32>
      %add3A_879 = arith.addi %mul3A_878, %add3A_875 : vector<16xi32>
      %swap3A_880 = arith.constant 9 : i32
      %swap3A_881 = arith.index_cast %swap3A_880 : i32 to index
      %swap3A_882 = arith.constant 0 : index
      %swap3A_883 = tpu.vector_load %arg6[%swap3A_881, %swap3A_882] {strides = array<i32>} : memref<10x80xi32, #tpu.memory_space<vmem>>, vector<1x16xi32>,
      %swap3A_884 = vector.shape_cast %swap3A_883 : vector<1x16xi32> to vector<16xi32>
      %swap3A_885 = vector.shape_cast %add3A_879 : vector<16xi32> to vector<1x16xi32>
      tpu.vector_store %arg6[%swap3A_881, %swap3A_882], %swap3A_885 {strides = array<i32>} : memref<10x80xi32, #tpu.memory_space<vmem>>, vector<1x16xi32>,
      %get3A_886 = arith.constant 736 : index
      %get3A_887 = tpu.vector_load %arg5[%get3A_886] {strides = array<i32>} : memref<800xi32, #tpu.memory_space<vmem>>, vector<16xi32>,
      %get3A_888 = vector.shape_cast %get3A_887 : vector<16xi32> to vector<16xi32>
      %add3A_889 = arith.constant 720 : i32
      %add3A_890 = arith.addi %mul3A_13, %add3A_889 : i32
      %add3A_891 = arith.constant 16 : i32
      %add3A_892 = arith.addi %add3A_890, %add3A_891 : i32
      %add3A_893 = vector.broadcast %add3A_892 : i32 to vector<16xi32>
      %add3A_894 = arith.addi %iota3A, %add3A_893 : vector<16xi32>
      %mul3A_895 = arith.constant 20000 : i32
      %mul3A_896 = vector.broadcast %mul3A_895 : i32 to vector<16xi32>
      %mul3A_897 = arith.muli %get3A_888, %mul3A_896 : vector<16xi32>
      %add3A_898 = arith.addi %mul3A_897, %add3A_894 : vector<16xi32>
      %swap3A_899 = arith.constant 9 : i32
      %swap3A_900 = arith.index_cast %swap3A_899 : i32 to index
      %swap3A_901 = arith.constant 16 : index
      %swap3A_902 = tpu.vector_load %arg6[%swap3A_900, %swap3A_901] {strides = array<i32>} : memref<10x80xi32, #tpu.memory_space<vmem>>, vector<1x16xi32>,
      %swap3A_903 = vector.shape_cast %swap3A_902 : vector<1x16xi32> to vector<16xi32>
      %swap3A_904 = vector.shape_cast %add3A_898 : vector<16xi32> to vector<1x16xi32>
      tpu.vector_store %arg6[%swap3A_900, %swap3A_901], %swap3A_904 {strides = array<i32>} : memref<10x80xi32, #tpu.memory_space<vmem>>, vector<1x16xi32>,
      %get3A_905 = arith.constant 752 : index
      %get3A_906 = tpu.vector_load %arg5[%get3A_905] {strides = array<i32>} : memref<800xi32, #tpu.memory_space<vmem>>, vector<16xi32>,
      %get3A_907 = vector.shape_cast %get3A_906 : vector<16xi32> to vector<16xi32>
      %add3A_908 = arith.constant 720 : i32
      %add3A_909 = arith.addi %mul3A_13, %add3A_908 : i32
      %add3A_910 = arith.constant 32 : i32
      %add3A_911 = arith.addi %add3A_909, %add3A_910 : i32
      %add3A_912 = vector.broadcast %add3A_911 : i32 to vector<16xi32>
      %add3A_913 = arith.addi %iota3A, %add3A_912 : vector<16xi32>
      %mul3A_914 = arith.constant 20000 : i32
      %mul3A_915 = vector.broadcast %mul3A_914 : i32 to vector<16xi32>
      %mul3A_916 = arith.muli %get3A_907, %mul3A_915 : vector<16xi32>
      %add3A_917 = arith.addi %mul3A_916, %add3A_913 : vector<16xi32>
      %swap3A_918 = arith.constant 9 : i32
      %swap3A_919 = arith.index_cast %swap3A_918 : i32 to index
      %swap3A_920 = arith.constant 32 : index
      %swap3A_921 = tpu.vector_load %arg6[%swap3A_919, %swap3A_920] {strides = array<i32>} : memref<10x80xi32, #tpu.memory_space<vmem>>, vector<1x16xi32>,
      %swap3A_922 = vector.shape_cast %swap3A_921 : vector<1x16xi32> to vector<16xi32>
      %swap3A_923 = vector.shape_cast %add3A_917 : vector<16xi32> to vector<1x16xi32>
      tpu.vector_store %arg6[%swap3A_919, %swap3A_920], %swap3A_923 {strides = array<i32>} : memref<10x80xi32, #tpu.memory_space<vmem>>, vector<1x16xi32>,
      %get3A_924 = arith.constant 768 : index
      %get3A_925 = tpu.vector_load %arg5[%get3A_924] {strides = array<i32>} : memref<800xi32, #tpu.memory_space<vmem>>, vector<16xi32>,
      %get3A_926 = vector.shape_cast %get3A_925 : vector<16xi32> to vector<16xi32>
      %add3A_927 = arith.constant 720 : i32
      %add3A_928 = arith.addi %mul3A_13, %add3A_927 : i32
      %add3A_929 = arith.constant 48 : i32
      %add3A_930 = arith.addi %add3A_928, %add3A_929 : i32
      %add3A_931 = vector.broadcast %add3A_930 : i32 to vector<16xi32>
      %add3A_932 = arith.addi %iota3A, %add3A_931 : vector<16xi32>
      %mul3A_933 = arith.constant 20000 : i32
      %mul3A_934 = vector.broadcast %mul3A_933 : i32 to vector<16xi32>
      %mul3A_935 = arith.muli %get3A_926, %mul3A_934 : vector<16xi32>
      %add3A_936 = arith.addi %mul3A_935, %add3A_932 : vector<16xi32>
      %swap3A_937 = arith.constant 9 : i32
      %swap3A_938 = arith.index_cast %swap3A_937 : i32 to index
      %swap3A_939 = arith.constant 48 : index
      %swap3A_940 = tpu.vector_load %arg6[%swap3A_938, %swap3A_939] {strides = array<i32>} : memref<10x80xi32, #tpu.memory_space<vmem>>, vector<1x16xi32>,
      %swap3A_941 = vector.shape_cast %swap3A_940 : vector<1x16xi32> to vector<16xi32>
      %swap3A_942 = vector.shape_cast %add3A_936 : vector<16xi32> to vector<1x16xi32>
      tpu.vector_store %arg6[%swap3A_938, %swap3A_939], %swap3A_942 {strides = array<i32>} : memref<10x80xi32, #tpu.memory_space<vmem>>, vector<1x16xi32>,
      %get3A_943 = arith.constant 784 : index
      %get3A_944 = tpu.vector_load %arg5[%get3A_943] {strides = array<i32>} : memref<800xi32, #tpu.memory_space<vmem>>, vector<16xi32>,
      %get3A_945 = vector.shape_cast %get3A_944 : vector<16xi32> to vector<16xi32>
      %add3A_946 = arith.constant 720 : i32
      %add3A_947 = arith.addi %mul3A_13, %add3A_946 : i32
      %add3A_948 = arith.constant 64 : i32
      %add3A_949 = arith.addi %add3A_947, %add3A_948 : i32
      %add3A_950 = vector.broadcast %add3A_949 : i32 to vector<16xi32>
      %add3A_951 = arith.addi %iota3A, %add3A_950 : vector<16xi32>
      %mul3A_952 = arith.constant 20000 : i32
      %mul3A_953 = vector.broadcast %mul3A_952 : i32 to vector<16xi32>
      %mul3A_954 = arith.muli %get3A_945, %mul3A_953 : vector<16xi32>
      %add3A_955 = arith.addi %mul3A_954, %add3A_951 : vector<16xi32>
      %swap3A_956 = arith.constant 9 : i32
      %swap3A_957 = arith.index_cast %swap3A_956 : i32 to index
      %swap3A_958 = arith.constant 64 : index
      %swap3A_959 = tpu.vector_load %arg6[%swap3A_957, %swap3A_958] {strides = array<i32>} : memref<10x80xi32, #tpu.memory_space<vmem>>, vector<1x16xi32>,
      %swap3A_960 = vector.shape_cast %swap3A_959 : vector<1x16xi32> to vector<16xi32>
      %swap3A_961 = vector.shape_cast %add3A_955 : vector<16xi32> to vector<1x16xi32>
      tpu.vector_store %arg6[%swap3A_957, %swap3A_958], %swap3A_961 {strides = array<i32>} : memref<10x80xi32, #tpu.memory_space<vmem>>, vector<1x16xi32>,
      %dma_start3A = arith.constant 0 : i32
      %dma_start3A_962 = arith.constant 0 : i32
      %dma_start3A_963 = arith.constant 0 : i32
      %dma_start3A_964 = tpu.memref_slice %arg7[%dma_start3A_962, %dma_start3A_963] : memref<800x64xf32, #tpu.memory_space<vmem>> -> memref<80x64xf32, #tpu.memory_space<vmem>>
      %dma_start3A_965 = arith.constant 0 : i32
      %dma_start3A_966 = tpu.memref_slice %arg6[%dma_start3A, %dma_start3A_965] : memref<10x80xi32, #tpu.memory_space<vmem>> -> memref<1x80xi32, #tpu.memory_space<vmem>>
      %dma_start3A_967 = tpu.memref_squeeze %dma_start3A_966 : memref<1x80xi32, #tpu.memory_space<vmem>> -> memref<80xi32, #tpu.memory_space<vmem>>
      %dma_start3A_968 = arith.constant 0 : i32
      %dma_start3A_969 = arith.constant 0 : i32
      %dma_start3A_970 = tpu.memref_slice %arg2[%dma_start3A_968, %dma_start3A_969] : memref<80000x64xf32, #tpu.memory_space<hbm>> -> memref<80000x64xf32, #tpu.memory_space<hbm>>
      tpu.enqueue_indirect_dma source(%dma_start3A_970 : memref<80000x64xf32, #tpu.memory_space<hbm>>) target(%dma_start3A_964 : memref<80x64xf32, #tpu.memory_space<vmem>>) offsets(%dma_start3A_967 : memref<80xi32, #tpu.memory_space<vmem>>) semaphore(%arg8 : memref<!tpu.dma_semaphore, #tpu.memory_space<semaphore_mem>>)
      %dma_start3A_971 = arith.constant 1 : i32
      %dma_start3A_972 = arith.constant 80 : i32
      %dma_start3A_973 = arith.constant 0 : i32
      %dma_start3A_974 = tpu.memref_slice %arg7[%dma_start3A_972, %dma_start3A_973] : memref<800x64xf32, #tpu.memory_space<vmem>> -> memref<80x64xf32, #tpu.memory_space<vmem>>
      %dma_start3A_975 = arith.constant 0 : i32
      %dma_start3A_976 = tpu.memref_slice %arg6[%dma_start3A_971, %dma_start3A_975] : memref<10x80xi32, #tpu.memory_space<vmem>> -> memref<1x80xi32, #tpu.memory_space<vmem>>
      %dma_start3A_977 = tpu.memref_squeeze %dma_start3A_976 : memref<1x80xi32, #tpu.memory_space<vmem>> -> memref<80xi32, #tpu.memory_space<vmem>>
      %dma_start3A_978 = arith.constant 0 : i32
      %dma_start3A_979 = arith.constant 0 : i32
      %dma_start3A_980 = tpu.memref_slice %arg2[%dma_start3A_978, %dma_start3A_979] : memref<80000x64xf32, #tpu.memory_space<hbm>> -> memref<80000x64xf32, #tpu.memory_space<hbm>>
      tpu.enqueue_indirect_dma source(%dma_start3A_980 : memref<80000x64xf32, #tpu.memory_space<hbm>>) target(%dma_start3A_974 : memref<80x64xf32, #tpu.memory_space<vmem>>) offsets(%dma_start3A_977 : memref<80xi32, #tpu.memory_space<vmem>>) semaphore(%arg8 : memref<!tpu.dma_semaphore, #tpu.memory_space<semaphore_mem>>)
      %dma_start3A_981 = arith.constant 2 : i32
      %dma_start3A_982 = arith.constant 160 : i32
      %dma_start3A_983 = arith.constant 0 : i32
      %dma_start3A_984 = tpu.memref_slice %arg7[%dma_start3A_982, %dma_start3A_983] : memref<800x64xf32, #tpu.memory_space<vmem>> -> memref<80x64xf32, #tpu.memory_space<vmem>>
      %dma_start3A_985 = arith.constant 0 : i32
      %dma_start3A_986 = tpu.memref_slice %arg6[%dma_start3A_981, %dma_start3A_985] : memref<10x80xi32, #tpu.memory_space<vmem>> -> memref<1x80xi32, #tpu.memory_space<vmem>>
      %dma_start3A_987 = tpu.memref_squeeze %dma_start3A_986 : memref<1x80xi32, #tpu.memory_space<vmem>> -> memref<80xi32, #tpu.memory_space<vmem>>
      %dma_start3A_988 = arith.constant 0 : i32
      %dma_start3A_989 = arith.constant 0 : i32
      %dma_start3A_990 = tpu.memref_slice %arg2[%dma_start3A_988, %dma_start3A_989] : memref<80000x64xf32, #tpu.memory_space<hbm>> -> memref<80000x64xf32, #tpu.memory_space<hbm>>
      tpu.enqueue_indirect_dma source(%dma_start3A_990 : memref<80000x64xf32, #tpu.memory_space<hbm>>) target(%dma_start3A_984 : memref<80x64xf32, #tpu.memory_space<vmem>>) offsets(%dma_start3A_987 : memref<80xi32, #tpu.memory_space<vmem>>) semaphore(%arg8 : memref<!tpu.dma_semaphore, #tpu.memory_space<semaphore_mem>>)
      %dma_start3A_991 = arith.constant 3 : i32
      %dma_start3A_992 = arith.constant 240 : i32
      %dma_start3A_993 = arith.constant 0 : i32
      %dma_start3A_994 = tpu.memref_slice %arg7[%dma_start3A_992, %dma_start3A_993] : memref<800x64xf32, #tpu.memory_space<vmem>> -> memref<80x64xf32, #tpu.memory_space<vmem>>
      %dma_start3A_995 = arith.constant 0 : i32
      %dma_start3A_996 = tpu.memref_slice %arg6[%dma_start3A_991, %dma_start3A_995] : memref<10x80xi32, #tpu.memory_space<vmem>> -> memref<1x80xi32, #tpu.memory_space<vmem>>
      %dma_start3A_997 = tpu.memref_squeeze %dma_start3A_996 : memref<1x80xi32, #tpu.memory_space<vmem>> -> memref<80xi32, #tpu.memory_space<vmem>>
      %dma_start3A_998 = arith.constant 0 : i32
      %dma_start3A_999 = arith.constant 0 : i32
      %dma_start3A_1000 = tpu.memref_slice %arg2[%dma_start3A_998, %dma_start3A_999] : memref<80000x64xf32, #tpu.memory_space<hbm>> -> memref<80000x64xf32, #tpu.memory_space<hbm>>
      tpu.enqueue_indirect_dma source(%dma_start3A_1000 : memref<80000x64xf32, #tpu.memory_space<hbm>>) target(%dma_start3A_994 : memref<80x64xf32, #tpu.memory_space<vmem>>) offsets(%dma_start3A_997 : memref<80xi32, #tpu.memory_space<vmem>>) semaphore(%arg8 : memref<!tpu.dma_semaphore, #tpu.memory_space<semaphore_mem>>)
      %dma_start3A_1001 = arith.constant 4 : i32
      %dma_start3A_1002 = arith.constant 320 : i32
      %dma_start3A_1003 = arith.constant 0 : i32
      %dma_start3A_1004 = tpu.memref_slice %arg7[%dma_start3A_1002, %dma_start3A_1003] : memref<800x64xf32, #tpu.memory_space<vmem>> -> memref<80x64xf32, #tpu.memory_space<vmem>>
      %dma_start3A_1005 = arith.constant 0 : i32
      %dma_start3A_1006 = tpu.memref_slice %arg6[%dma_start3A_1001, %dma_start3A_1005] : memref<10x80xi32, #tpu.memory_space<vmem>> -> memref<1x80xi32, #tpu.memory_space<vmem>>
      %dma_start3A_1007 = tpu.memref_squeeze %dma_start3A_1006 : memref<1x80xi32, #tpu.memory_space<vmem>> -> memref<80xi32, #tpu.memory_space<vmem>>
      %dma_start3A_1008 = arith.constant 0 : i32
      %dma_start3A_1009 = arith.constant 0 : i32
      %dma_start3A_1010 = tpu.memref_slice %arg2[%dma_start3A_1008, %dma_start3A_1009] : memref<80000x64xf32, #tpu.memory_space<hbm>> -> memref<80000x64xf32, #tpu.memory_space<hbm>>
      tpu.enqueue_indirect_dma source(%dma_start3A_1010 : memref<80000x64xf32, #tpu.memory_space<hbm>>) target(%dma_start3A_1004 : memref<80x64xf32, #tpu.memory_space<vmem>>) offsets(%dma_start3A_1007 : memref<80xi32, #tpu.memory_space<vmem>>) semaphore(%arg8 : memref<!tpu.dma_semaphore, #tpu.memory_space<semaphore_mem>>)
      %dma_start3A_1011 = arith.constant 5 : i32
      %dma_start3A_1012 = arith.constant 400 : i32
      %dma_start3A_1013 = arith.constant 0 : i32
      %dma_start3A_1014 = tpu.memref_slice %arg7[%dma_start3A_1012, %dma_start3A_1013] : memref<800x64xf32, #tpu.memory_space<vmem>> -> memref<80x64xf32, #tpu.memory_space<vmem>>
      %dma_start3A_1015 = arith.constant 0 : i32
      %dma_start3A_1016 = tpu.memref_slice %arg6[%dma_start3A_1011, %dma_start3A_1015] : memref<10x80xi32, #tpu.memory_space<vmem>> -> memref<1x80xi32, #tpu.memory_space<vmem>>
      %dma_start3A_1017 = tpu.memref_squeeze %dma_start3A_1016 : memref<1x80xi32, #tpu.memory_space<vmem>> -> memref<80xi32, #tpu.memory_space<vmem>>
      %dma_start3A_1018 = arith.constant 0 : i32
      %dma_start3A_1019 = arith.constant 0 : i32
      %dma_start3A_1020 = tpu.memref_slice %arg2[%dma_start3A_1018, %dma_start3A_1019] : memref<80000x64xf32, #tpu.memory_space<hbm>> -> memref<80000x64xf32, #tpu.memory_space<hbm>>
      tpu.enqueue_indirect_dma source(%dma_start3A_1020 : memref<80000x64xf32, #tpu.memory_space<hbm>>) target(%dma_start3A_1014 : memref<80x64xf32, #tpu.memory_space<vmem>>) offsets(%dma_start3A_1017 : memref<80xi32, #tpu.memory_space<vmem>>) semaphore(%arg8 : memref<!tpu.dma_semaphore, #tpu.memory_space<semaphore_mem>>)
      %dma_start3A_1021 = arith.constant 6 : i32
      %dma_start3A_1022 = arith.constant 480 : i32
      %dma_start3A_1023 = arith.constant 0 : i32
      %dma_start3A_1024 = tpu.memref_slice %arg7[%dma_start3A_1022, %dma_start3A_1023] : memref<800x64xf32, #tpu.memory_space<vmem>> -> memref<80x64xf32, #tpu.memory_space<vmem>>
      %dma_start3A_1025 = arith.constant 0 : i32
      %dma_start3A_1026 = tpu.memref_slice %arg6[%dma_start3A_1021, %dma_start3A_1025] : memref<10x80xi32, #tpu.memory_space<vmem>> -> memref<1x80xi32, #tpu.memory_space<vmem>>
      %dma_start3A_1027 = tpu.memref_squeeze %dma_start3A_1026 : memref<1x80xi32, #tpu.memory_space<vmem>> -> memref<80xi32, #tpu.memory_space<vmem>>
      %dma_start3A_1028 = arith.constant 0 : i32
      %dma_start3A_1029 = arith.constant 0 : i32
      %dma_start3A_1030 = tpu.memref_slice %arg2[%dma_start3A_1028, %dma_start3A_1029] : memref<80000x64xf32, #tpu.memory_space<hbm>> -> memref<80000x64xf32, #tpu.memory_space<hbm>>
      tpu.enqueue_indirect_dma source(%dma_start3A_1030 : memref<80000x64xf32, #tpu.memory_space<hbm>>) target(%dma_start3A_1024 : memref<80x64xf32, #tpu.memory_space<vmem>>) offsets(%dma_start3A_1027 : memref<80xi32, #tpu.memory_space<vmem>>) semaphore(%arg8 : memref<!tpu.dma_semaphore, #tpu.memory_space<semaphore_mem>>)
      %dma_start3A_1031 = arith.constant 7 : i32
      %dma_start3A_1032 = arith.constant 560 : i32
      %dma_start3A_1033 = arith.constant 0 : i32
      %dma_start3A_1034 = tpu.memref_slice %arg7[%dma_start3A_1032, %dma_start3A_1033] : memref<800x64xf32, #tpu.memory_space<vmem>> -> memref<80x64xf32, #tpu.memory_space<vmem>>
      %dma_start3A_1035 = arith.constant 0 : i32
      %dma_start3A_1036 = tpu.memref_slice %arg6[%dma_start3A_1031, %dma_start3A_1035] : memref<10x80xi32, #tpu.memory_space<vmem>> -> memref<1x80xi32, #tpu.memory_space<vmem>>
      %dma_start3A_1037 = tpu.memref_squeeze %dma_start3A_1036 : memref<1x80xi32, #tpu.memory_space<vmem>> -> memref<80xi32, #tpu.memory_space<vmem>>
      %dma_start3A_1038 = arith.constant 0 : i32
      %dma_start3A_1039 = arith.constant 0 : i32
      %dma_start3A_1040 = tpu.memref_slice %arg2[%dma_start3A_1038, %dma_start3A_1039] : memref<80000x64xf32, #tpu.memory_space<hbm>> -> memref<80000x64xf32, #tpu.memory_space<hbm>>
      tpu.enqueue_indirect_dma source(%dma_start3A_1040 : memref<80000x64xf32, #tpu.memory_space<hbm>>) target(%dma_start3A_1034 : memref<80x64xf32, #tpu.memory_space<vmem>>) offsets(%dma_start3A_1037 : memref<80xi32, #tpu.memory_space<vmem>>) semaphore(%arg8 : memref<!tpu.dma_semaphore, #tpu.memory_space<semaphore_mem>>)
      %dma_start3A_1041 = arith.constant 8 : i32
      %dma_start3A_1042 = arith.constant 640 : i32
      %dma_start3A_1043 = arith.constant 0 : i32
      %dma_start3A_1044 = tpu.memref_slice %arg7[%dma_start3A_1042, %dma_start3A_1043] : memref<800x64xf32, #tpu.memory_space<vmem>> -> memref<80x64xf32, #tpu.memory_space<vmem>>
      %dma_start3A_1045 = arith.constant 0 : i32
      %dma_start3A_1046 = tpu.memref_slice %arg6[%dma_start3A_1041, %dma_start3A_1045] : memref<10x80xi32, #tpu.memory_space<vmem>> -> memref<1x80xi32, #tpu.memory_space<vmem>>
      %dma_start3A_1047 = tpu.memref_squeeze %dma_start3A_1046 : memref<1x80xi32, #tpu.memory_space<vmem>> -> memref<80xi32, #tpu.memory_space<vmem>>
      %dma_start3A_1048 = arith.constant 0 : i32
      %dma_start3A_1049 = arith.constant 0 : i32
      %dma_start3A_1050 = tpu.memref_slice %arg2[%dma_start3A_1048, %dma_start3A_1049] : memref<80000x64xf32, #tpu.memory_space<hbm>> -> memref<80000x64xf32, #tpu.memory_space<hbm>>
      tpu.enqueue_indirect_dma source(%dma_start3A_1050 : memref<80000x64xf32, #tpu.memory_space<hbm>>) target(%dma_start3A_1044 : memref<80x64xf32, #tpu.memory_space<vmem>>) offsets(%dma_start3A_1047 : memref<80xi32, #tpu.memory_space<vmem>>) semaphore(%arg8 : memref<!tpu.dma_semaphore, #tpu.memory_space<semaphore_mem>>)
      %dma_start3A_1051 = arith.constant 9 : i32
      %dma_start3A_1052 = arith.constant 720 : i32
      %dma_start3A_1053 = arith.constant 0 : i32
      %dma_start3A_1054 = tpu.memref_slice %arg7[%dma_start3A_1052, %dma_start3A_1053] : memref<800x64xf32, #tpu.memory_space<vmem>> -> memref<80x64xf32, #tpu.memory_space<vmem>>
      %dma_start3A_1055 = arith.constant 0 : i32
      %dma_start3A_1056 = tpu.memref_slice %arg6[%dma_start3A_1051, %dma_start3A_1055] : memref<10x80xi32, #tpu.memory_space<vmem>> -> memref<1x80xi32, #tpu.memory_space<vmem>>
      %dma_start3A_1057 = tpu.memref_squeeze %dma_start3A_1056 : memref<1x80xi32, #tpu.memory_space<vmem>> -> memref<80xi32, #tpu.memory_space<vmem>>
      %dma_start3A_1058 = arith.constant 0 : i32
      %dma_start3A_1059 = arith.constant 0 : i32
      %dma_start3A_1060 = tpu.memref_slice %arg2[%dma_start3A_1058, %dma_start3A_1059] : memref<80000x64xf32, #tpu.memory_space<hbm>> -> memref<80000x64xf32, #tpu.memory_space<hbm>>
      tpu.enqueue_indirect_dma source(%dma_start3A_1060 : memref<80000x64xf32, #tpu.memory_space<hbm>>) target(%dma_start3A_1054 : memref<80x64xf32, #tpu.memory_space<vmem>>) offsets(%dma_start3A_1057 : memref<80xi32, #tpu.memory_space<vmem>>) semaphore(%arg8 : memref<!tpu.dma_semaphore, #tpu.memory_space<semaphore_mem>>)
      %dma_wait3A = arith.constant 0 : i32
      %dma_wait3A_1061 = arith.constant 0 : i32
      %dma_wait3A_1062 = arith.constant 0 : i32
      %dma_wait3A_1063 = tpu.memref_slice %arg7[%dma_wait3A_1061, %dma_wait3A_1062] : memref<800x64xf32, #tpu.memory_space<vmem>> -> memref<80x64xf32, #tpu.memory_space<vmem>>
      %dma_wait3A_1064 = arith.constant 0 : i32
      %dma_wait3A_1065 = tpu.memref_slice %arg6[%dma_wait3A, %dma_wait3A_1064] : memref<10x80xi32, #tpu.memory_space<vmem>> -> memref<1x80xi32, #tpu.memory_space<vmem>>
      %dma_wait3A_1066 = tpu.memref_squeeze %dma_wait3A_1065 : memref<1x80xi32, #tpu.memory_space<vmem>> -> memref<80xi32, #tpu.memory_space<vmem>>
      %dma_wait3A_1067 = arith.constant 0 : i32
      %dma_wait3A_1068 = arith.constant 0 : i32
      %dma_wait3A_1069 = tpu.memref_slice %arg2[%dma_wait3A_1067, %dma_wait3A_1068] : memref<80000x64xf32, #tpu.memory_space<hbm>> -> memref<80000x64xf32, #tpu.memory_space<hbm>>
      tpu.wait_indirect_dma semaphore(%arg8 : memref<!tpu.dma_semaphore, #tpu.memory_space<semaphore_mem>>) src(%dma_wait3A_1069 : memref<80000x64xf32, #tpu.memory_space<hbm>>) dst(%dma_wait3A_1063 : memref<80x64xf32, #tpu.memory_space<vmem>>)
      %dma_wait3A_1070 = arith.constant 1 : i32
      %dma_wait3A_1071 = arith.constant 80 : i32
      %dma_wait3A_1072 = arith.constant 0 : i32
      %dma_wait3A_1073 = tpu.memref_slice %arg7[%dma_wait3A_1071, %dma_wait3A_1072] : memref<800x64xf32, #tpu.memory_space<vmem>> -> memref<80x64xf32, #tpu.memory_space<vmem>>
      %dma_wait3A_1074 = arith.constant 0 : i32
      %dma_wait3A_1075 = tpu.memref_slice %arg6[%dma_wait3A_1070, %dma_wait3A_1074] : memref<10x80xi32, #tpu.memory_space<vmem>> -> memref<1x80xi32, #tpu.memory_space<vmem>>
      %dma_wait3A_1076 = tpu.memref_squeeze %dma_wait3A_1075 : memref<1x80xi32, #tpu.memory_space<vmem>> -> memref<80xi32, #tpu.memory_space<vmem>>
      %dma_wait3A_1077 = arith.constant 0 : i32
      %dma_wait3A_1078 = arith.constant 0 : i32
      %dma_wait3A_1079 = tpu.memref_slice %arg2[%dma_wait3A_1077, %dma_wait3A_1078] : memref<80000x64xf32, #tpu.memory_space<hbm>> -> memref<80000x64xf32, #tpu.memory_space<hbm>>
      tpu.wait_indirect_dma semaphore(%arg8 : memref<!tpu.dma_semaphore, #tpu.memory_space<semaphore_mem>>) src(%dma_wait3A_1079 : memref<80000x64xf32, #tpu.memory_space<hbm>>) dst(%dma_wait3A_1073 : memref<80x64xf32, #tpu.memory_space<vmem>>)
      %dma_wait3A_1080 = arith.constant 2 : i32
      %dma_wait3A_1081 = arith.constant 160 : i32
      %dma_wait3A_1082 = arith.constant 0 : i32
      %dma_wait3A_1083 = tpu.memref_slice %arg7[%dma_wait3A_1081, %dma_wait3A_1082] : memref<800x64xf32, #tpu.memory_space<vmem>> -> memref<80x64xf32, #tpu.memory_space<vmem>>
      %dma_wait3A_1084 = arith.constant 0 : i32
      %dma_wait3A_1085 = tpu.memref_slice %arg6[%dma_wait3A_1080, %dma_wait3A_1084] : memref<10x80xi32, #tpu.memory_space<vmem>> -> memref<1x80xi32, #tpu.memory_space<vmem>>
      %dma_wait3A_1086 = tpu.memref_squeeze %dma_wait3A_1085 : memref<1x80xi32, #tpu.memory_space<vmem>> -> memref<80xi32, #tpu.memory_space<vmem>>
      %dma_wait3A_1087 = arith.constant 0 : i32
      %dma_wait3A_1088 = arith.constant 0 : i32
      %dma_wait3A_1089 = tpu.memref_slice %arg2[%dma_wait3A_1087, %dma_wait3A_1088] : memref<80000x64xf32, #tpu.memory_space<hbm>> -> memref<80000x64xf32, #tpu.memory_space<hbm>>
      tpu.wait_indirect_dma semaphore(%arg8 : memref<!tpu.dma_semaphore, #tpu.memory_space<semaphore_mem>>) src(%dma_wait3A_1089 : memref<80000x64xf32, #tpu.memory_space<hbm>>) dst(%dma_wait3A_1083 : memref<80x64xf32, #tpu.memory_space<vmem>>)
      %dma_wait3A_1090 = arith.constant 3 : i32
      %dma_wait3A_1091 = arith.constant 240 : i32
      %dma_wait3A_1092 = arith.constant 0 : i32
      %dma_wait3A_1093 = tpu.memref_slice %arg7[%dma_wait3A_1091, %dma_wait3A_1092] : memref<800x64xf32, #tpu.memory_space<vmem>> -> memref<80x64xf32, #tpu.memory_space<vmem>>
      %dma_wait3A_1094 = arith.constant 0 : i32
      %dma_wait3A_1095 = tpu.memref_slice %arg6[%dma_wait3A_1090, %dma_wait3A_1094] : memref<10x80xi32, #tpu.memory_space<vmem>> -> memref<1x80xi32, #tpu.memory_space<vmem>>
      %dma_wait3A_1096 = tpu.memref_squeeze %dma_wait3A_1095 : memref<1x80xi32, #tpu.memory_space<vmem>> -> memref<80xi32, #tpu.memory_space<vmem>>
      %dma_wait3A_1097 = arith.constant 0 : i32
      %dma_wait3A_1098 = arith.constant 0 : i32
      %dma_wait3A_1099 = tpu.memref_slice %arg2[%dma_wait3A_1097, %dma_wait3A_1098] : memref<80000x64xf32, #tpu.memory_space<hbm>> -> memref<80000x64xf32, #tpu.memory_space<hbm>>
      tpu.wait_indirect_dma semaphore(%arg8 : memref<!tpu.dma_semaphore, #tpu.memory_space<semaphore_mem>>) src(%dma_wait3A_1099 : memref<80000x64xf32, #tpu.memory_space<hbm>>) dst(%dma_wait3A_1093 : memref<80x64xf32, #tpu.memory_space<vmem>>)
      %dma_wait3A_1100 = arith.constant 4 : i32
      %dma_wait3A_1101 = arith.constant 320 : i32
      %dma_wait3A_1102 = arith.constant 0 : i32
      %dma_wait3A_1103 = tpu.memref_slice %arg7[%dma_wait3A_1101, %dma_wait3A_1102] : memref<800x64xf32, #tpu.memory_space<vmem>> -> memref<80x64xf32, #tpu.memory_space<vmem>>
      %dma_wait3A_1104 = arith.constant 0 : i32
      %dma_wait3A_1105 = tpu.memref_slice %arg6[%dma_wait3A_1100, %dma_wait3A_1104] : memref<10x80xi32, #tpu.memory_space<vmem>> -> memref<1x80xi32, #tpu.memory_space<vmem>>
      %dma_wait3A_1106 = tpu.memref_squeeze %dma_wait3A_1105 : memref<1x80xi32, #tpu.memory_space<vmem>> -> memref<80xi32, #tpu.memory_space<vmem>>
      %dma_wait3A_1107 = arith.constant 0 : i32
      %dma_wait3A_1108 = arith.constant 0 : i32
      %dma_wait3A_1109 = tpu.memref_slice %arg2[%dma_wait3A_1107, %dma_wait3A_1108] : memref<80000x64xf32, #tpu.memory_space<hbm>> -> memref<80000x64xf32, #tpu.memory_space<hbm>>
      tpu.wait_indirect_dma semaphore(%arg8 : memref<!tpu.dma_semaphore, #tpu.memory_space<semaphore_mem>>) src(%dma_wait3A_1109 : memref<80000x64xf32, #tpu.memory_space<hbm>>) dst(%dma_wait3A_1103 : memref<80x64xf32, #tpu.memory_space<vmem>>)
      %dma_wait3A_1110 = arith.constant 5 : i32
      %dma_wait3A_1111 = arith.constant 400 : i32
      %dma_wait3A_1112 = arith.constant 0 : i32
      %dma_wait3A_1113 = tpu.memref_slice %arg7[%dma_wait3A_1111, %dma_wait3A_1112] : memref<800x64xf32, #tpu.memory_space<vmem>> -> memref<80x64xf32, #tpu.memory_space<vmem>>
      %dma_wait3A_1114 = arith.constant 0 : i32
      %dma_wait3A_1115 = tpu.memref_slice %arg6[%dma_wait3A_1110, %dma_wait3A_1114] : memref<10x80xi32, #tpu.memory_space<vmem>> -> memref<1x80xi32, #tpu.memory_space<vmem>>
      %dma_wait3A_1116 = tpu.memref_squeeze %dma_wait3A_1115 : memref<1x80xi32, #tpu.memory_space<vmem>> -> memref<80xi32, #tpu.memory_space<vmem>>
      %dma_wait3A_1117 = arith.constant 0 : i32
      %dma_wait3A_1118 = arith.constant 0 : i32
      %dma_wait3A_1119 = tpu.memref_slice %arg2[%dma_wait3A_1117, %dma_wait3A_1118] : memref<80000x64xf32, #tpu.memory_space<hbm>> -> memref<80000x64xf32, #tpu.memory_space<hbm>>
      tpu.wait_indirect_dma semaphore(%arg8 : memref<!tpu.dma_semaphore, #tpu.memory_space<semaphore_mem>>) src(%dma_wait3A_1119 : memref<80000x64xf32, #tpu.memory_space<hbm>>) dst(%dma_wait3A_1113 : memref<80x64xf32, #tpu.memory_space<vmem>>)
      %dma_wait3A_1120 = arith.constant 6 : i32
      %dma_wait3A_1121 = arith.constant 480 : i32
      %dma_wait3A_1122 = arith.constant 0 : i32
      %dma_wait3A_1123 = tpu.memref_slice %arg7[%dma_wait3A_1121, %dma_wait3A_1122] : memref<800x64xf32, #tpu.memory_space<vmem>> -> memref<80x64xf32, #tpu.memory_space<vmem>>
      %dma_wait3A_1124 = arith.constant 0 : i32
      %dma_wait3A_1125 = tpu.memref_slice %arg6[%dma_wait3A_1120, %dma_wait3A_1124] : memref<10x80xi32, #tpu.memory_space<vmem>> -> memref<1x80xi32, #tpu.memory_space<vmem>>
      %dma_wait3A_1126 = tpu.memref_squeeze %dma_wait3A_1125 : memref<1x80xi32, #tpu.memory_space<vmem>> -> memref<80xi32, #tpu.memory_space<vmem>>
      %dma_wait3A_1127 = arith.constant 0 : i32
      %dma_wait3A_1128 = arith.constant 0 : i32
      %dma_wait3A_1129 = tpu.memref_slice %arg2[%dma_wait3A_1127, %dma_wait3A_1128] : memref<80000x64xf32, #tpu.memory_space<hbm>> -> memref<80000x64xf32, #tpu.memory_space<hbm>>
      tpu.wait_indirect_dma semaphore(%arg8 : memref<!tpu.dma_semaphore, #tpu.memory_space<semaphore_mem>>) src(%dma_wait3A_1129 : memref<80000x64xf32, #tpu.memory_space<hbm>>) dst(%dma_wait3A_1123 : memref<80x64xf32, #tpu.memory_space<vmem>>)
      %dma_wait3A_1130 = arith.constant 7 : i32
      %dma_wait3A_1131 = arith.constant 560 : i32
      %dma_wait3A_1132 = arith.constant 0 : i32
      %dma_wait3A_1133 = tpu.memref_slice %arg7[%dma_wait3A_1131, %dma_wait3A_1132] : memref<800x64xf32, #tpu.memory_space<vmem>> -> memref<80x64xf32, #tpu.memory_space<vmem>>
      %dma_wait3A_1134 = arith.constant 0 : i32
      %dma_wait3A_1135 = tpu.memref_slice %arg6[%dma_wait3A_1130, %dma_wait3A_1134] : memref<10x80xi32, #tpu.memory_space<vmem>> -> memref<1x80xi32, #tpu.memory_space<vmem>>
      %dma_wait3A_1136 = tpu.memref_squeeze %dma_wait3A_1135 : memref<1x80xi32, #tpu.memory_space<vmem>> -> memref<80xi32, #tpu.memory_space<vmem>>
      %dma_wait3A_1137 = arith.constant 0 : i32
      %dma_wait3A_1138 = arith.constant 0 : i32
      %dma_wait3A_1139 = tpu.memref_slice %arg2[%dma_wait3A_1137, %dma_wait3A_1138] : memref<80000x64xf32, #tpu.memory_space<hbm>> -> memref<80000x64xf32, #tpu.memory_space<hbm>>
      tpu.wait_indirect_dma semaphore(%arg8 : memref<!tpu.dma_semaphore, #tpu.memory_space<semaphore_mem>>) src(%dma_wait3A_1139 : memref<80000x64xf32, #tpu.memory_space<hbm>>) dst(%dma_wait3A_1133 : memref<80x64xf32, #tpu.memory_space<vmem>>)
      %dma_wait3A_1140 = arith.constant 8 : i32
      %dma_wait3A_1141 = arith.constant 640 : i32
      %dma_wait3A_1142 = arith.constant 0 : i32
      %dma_wait3A_1143 = tpu.memref_slice %arg7[%dma_wait3A_1141, %dma_wait3A_1142] : memref<800x64xf32, #tpu.memory_space<vmem>> -> memref<80x64xf32, #tpu.memory_space<vmem>>
      %dma_wait3A_1144 = arith.constant 0 : i32
      %dma_wait3A_1145 = tpu.memref_slice %arg6[%dma_wait3A_1140, %dma_wait3A_1144] : memref<10x80xi32, #tpu.memory_space<vmem>> -> memref<1x80xi32, #tpu.memory_space<vmem>>
      %dma_wait3A_1146 = tpu.memref_squeeze %dma_wait3A_1145 : memref<1x80xi32, #tpu.memory_space<vmem>> -> memref<80xi32, #tpu.memory_space<vmem>>
      %dma_wait3A_1147 = arith.constant 0 : i32
      %dma_wait3A_1148 = arith.constant 0 : i32
      %dma_wait3A_1149 = tpu.memref_slice %arg2[%dma_wait3A_1147, %dma_wait3A_1148] : memref<80000x64xf32, #tpu.memory_space<hbm>> -> memref<80000x64xf32, #tpu.memory_space<hbm>>
      tpu.wait_indirect_dma semaphore(%arg8 : memref<!tpu.dma_semaphore, #tpu.memory_space<semaphore_mem>>) src(%dma_wait3A_1149 : memref<80000x64xf32, #tpu.memory_space<hbm>>) dst(%dma_wait3A_1143 : memref<80x64xf32, #tpu.memory_space<vmem>>)
      %dma_wait3A_1150 = arith.constant 9 : i32
      %dma_wait3A_1151 = arith.constant 720 : i32
      %dma_wait3A_1152 = arith.constant 0 : i32
      %dma_wait3A_1153 = tpu.memref_slice %arg7[%dma_wait3A_1151, %dma_wait3A_1152] : memref<800x64xf32, #tpu.memory_space<vmem>> -> memref<80x64xf32, #tpu.memory_space<vmem>>
      %dma_wait3A_1154 = arith.constant 0 : i32
      %dma_wait3A_1155 = tpu.memref_slice %arg6[%dma_wait3A_1150, %dma_wait3A_1154] : memref<10x80xi32, #tpu.memory_space<vmem>> -> memref<1x80xi32, #tpu.memory_space<vmem>>
      %dma_wait3A_1156 = tpu.memref_squeeze %dma_wait3A_1155 : memref<1x80xi32, #tpu.memory_space<vmem>> -> memref<80xi32, #tpu.memory_space<vmem>>
      %dma_wait3A_1157 = arith.constant 0 : i32
      %dma_wait3A_1158 = arith.constant 0 : i32
      %dma_wait3A_1159 = tpu.memref_slice %arg2[%dma_wait3A_1157, %dma_wait3A_1158] : memref<80000x64xf32, #tpu.memory_space<hbm>> -> memref<80000x64xf32, #tpu.memory_space<hbm>>
      tpu.wait_indirect_dma semaphore(%arg8 : memref<!tpu.dma_semaphore, #tpu.memory_space<semaphore_mem>>) src(%dma_wait3A_1159 : memref<80000x64xf32, #tpu.memory_space<hbm>>) dst(%dma_wait3A_1153 : memref<80x64xf32, #tpu.memory_space<vmem>>)
      "tpu.region"() ({
        %run_scoped3A = tpu.sem_alloc : memref<!tpu.dma_semaphore, #tpu.memory_space<semaphore_mem>>
        %dma_start3A_1160 = arith.constant 0 : i32
        %dma_start3A_1161 = tpu.memref_slice %arg4[%add3A_11, %dma_start3A_1160] : memref<640000x64xf32, #tpu.memory_space<hbm>> -> memref<800x64xf32, #tpu.memory_space<hbm>>
        %dma_start3A_1162 = arith.constant 0 : i32
        %dma_start3A_1163 = tpu.memref_slice %arg4[%add3A_11, %dma_start3A_1162] : memref<640000x64xf32, #tpu.memory_space<hbm>> -> memref<800x64xf32, #tpu.memory_space<hbm>>
        tpu.enqueue_dma source(%arg7 : memref<800x64xf32, #tpu.memory_space<vmem>>) target(%dma_start3A_1163 : memref<800x64xf32, #tpu.memory_space<hbm>>) target_semaphore(%run_scoped3A : memref<!tpu.dma_semaphore, #tpu.memory_space<semaphore_mem>>)
        %dma_wait3A_1164 = arith.constant 0 : i32
        %dma_wait3A_1165 = tpu.memref_slice %arg4[%add3A_11, %dma_wait3A_1164] : memref<640000x64xf32, #tpu.memory_space<hbm>> -> memref<800x64xf32, #tpu.memory_space<hbm>>
        %dma_wait3A_1166 = arith.constant 0 : i32
        %dma_wait3A_1167 = tpu.memref_slice %arg4[%add3A_11, %dma_wait3A_1166] : memref<640000x64xf32, #tpu.memory_space<hbm>> -> memref<800x64xf32, #tpu.memory_space<hbm>>
        tpu.wait_dma2 semaphore(%run_scoped3A : memref<!tpu.dma_semaphore, #tpu.memory_space<semaphore_mem>>) src(%arg7 : memref<800x64xf32, #tpu.memory_space<vmem>>) dst(%dma_wait3A_1167 : memref<800x64xf32, #tpu.memory_space<hbm>>)
        tpu.yield
      }) : () -> ()
    }
    %scan3A_7 = arith.constant 25 : i32
    return
  }
}

module attributes {stable_mosaic.version = 14 : i64} {
  func.func @_p1_body(%arg0: i32, %arg1: memref<2000x768xf32, #tpu.memory_space<vmem>>, %arg2: memref<2000x200xf32, #tpu.memory_space<vmem>>, %arg3: memref<64x768xf32, #tpu.memory_space<vmem>>, %arg4: memref<64x200xf32, #tpu.memory_space<vmem>>, %arg5: memref<1x64xf32, #tpu.memory_space<vmem>>, %arg6: memref<1x64xf32, #tpu.memory_space<vmem>>, %arg7: memref<4x64xf32, #tpu.memory_space<vmem>>, %arg8: memref<1x64xf32, #tpu.memory_space<vmem>>, %arg9: memref<1x64xf32, #tpu.memory_space<vmem>>, %arg10: memref<4x2000x64xf32, #tpu.memory_space<vmem>>) attributes {dimension_semantics = [#tpu.dimension_semantics<arbitrary>], iteration_bounds = array<i64: 10>, scalar_prefetch = 0 : i64, scratch_operands = 0 : i64, tpu.core_type = #tpu.core_type<tc>, window_params = [{transform_indices = @transform_0, window_bounds = array<i64: 2000, 768>}, {transform_indices = @transform_1, window_bounds = array<i64: 2000, 200>}, {pipeline_mode = #tpu.pipeline_mode<synchronous>, transform_indices = @transform_2, window_bounds = array<i64: 64, 768>}, {pipeline_mode = #tpu.pipeline_mode<synchronous>, transform_indices = @transform_3, window_bounds = array<i64: 64, 200>}, {pipeline_mode = #tpu.pipeline_mode<synchronous>, transform_indices = @transform_4, window_bounds = array<i64: 1, 64>}, {pipeline_mode = #tpu.pipeline_mode<synchronous>, transform_indices = @transform_5, window_bounds = array<i64: 1, 64>}, {pipeline_mode = #tpu.pipeline_mode<synchronous>, transform_indices = @transform_6, window_bounds = array<i64: 4, 64>}, {pipeline_mode = #tpu.pipeline_mode<synchronous>, transform_indices = @transform_7, window_bounds = array<i64: 1, 64>}, {pipeline_mode = #tpu.pipeline_mode<synchronous>, transform_indices = @transform_8, window_bounds = array<i64: 1, 64>}, {transform_indices = @transform_9, window_bounds = array<i64: 4, 2000, 64>}]} {
    %get3A = arith.constant 0 : index
    %get3A_0 = arith.constant 0 : index
    %get3A_1 = vector.load %arg1[%get3A, %get3A_0] : memref<2000x768xf32, #tpu.memory_space<vmem>>, vector<2000x768xf32>
    %get3A_2 = arith.constant 0 : index
    %get3A_3 = arith.constant 0 : index
    %get3A_4 = vector.load %arg3[%get3A_2, %get3A_3] : memref<64x768xf32, #tpu.memory_space<vmem>>, vector<64x768xf32>
    %dot_general3A = arith.constant dense<0.000000e+00> : vector<2000x64xf32>
    %dot_general3A_5 = tpu.matmul %get3A_1, %get3A_4, %dot_general3A {dimension_numbers = #tpu.dot_dimension_numbers<[1], [1], [0], [0], [0, 0, 1, 0], [], []>, transpose_lhs_hint = false} : vector<2000x768xf32>, vector<64x768xf32>, vector<2000x64xf32> -> vector<2000x64xf32>
    %get3A_6 = arith.constant 0 : index
    %get3A_7 = arith.constant 0 : index
    %get3A_8 = vector.load %arg2[%get3A_6, %get3A_7] : memref<2000x200xf32, #tpu.memory_space<vmem>>, vector<2000x200xf32>
    %get3A_9 = arith.constant 0 : index
    %get3A_10 = arith.constant 0 : index
    %get3A_11 = vector.load %arg4[%get3A_9, %get3A_10] : memref<64x200xf32, #tpu.memory_space<vmem>>, vector<64x200xf32>
    %dot_general3A_12 = arith.constant dense<0.000000e+00> : vector<2000x64xf32>
    %dot_general3A_13 = tpu.matmul %get3A_8, %get3A_11, %dot_general3A_12 {dimension_numbers = #tpu.dot_dimension_numbers<[1], [1], [0], [0], [0, 0, 1, 0], [], []>, transpose_lhs_hint = false} : vector<2000x200xf32>, vector<64x200xf32>, vector<2000x64xf32> -> vector<2000x64xf32>
    %add3A = arith.addf %dot_general3A_5, %dot_general3A_13 : vector<2000x64xf32>
    %get3A_14 = arith.constant 0 : index
    %get3A_15 = arith.constant 0 : index
    %get3A_16 = vector.load %arg5[%get3A_14, %get3A_15] : memref<1x64xf32, #tpu.memory_space<vmem>>, vector<1x64xf32>
    %add3A_17 = vector.broadcast %get3A_16 : vector<1x64xf32> to vector<2000x64xf32>
    %add3A_18 = arith.addf %add3A, %add3A_17 : vector<2000x64xf32>
    %get3A_19 = arith.constant 0 : index
    %get3A_20 = arith.constant 0 : index
    %get3A_21 = vector.load %arg6[%get3A_19, %get3A_20] : memref<1x64xf32, #tpu.memory_space<vmem>>, vector<1x64xf32>
    %add3A_22 = vector.broadcast %get3A_21 : vector<1x64xf32> to vector<2000x64xf32>
    %add3A_23 = arith.addf %add3A_18, %add3A_22 : vector<2000x64xf32>
    %get3A_24 = arith.constant 0 : index
    %get3A_25 = arith.constant 0 : index
    %get3A_26 = vector.load %arg8[%get3A_24, %get3A_25] : memref<1x64xf32, #tpu.memory_space<vmem>>, vector<1x64xf32>
    %get3A_27 = arith.constant 0 : index
    %get3A_28 = arith.constant 0 : index
    %get3A_29 = vector.load %arg9[%get3A_27, %get3A_28] : memref<1x64xf32, #tpu.memory_space<vmem>>, vector<1x64xf32>
    %get3A_30 = arith.constant 0 : index
    %get3A_31 = arith.constant 0 : index
    %get3A_32 = vector.load %arg7[%get3A_30, %get3A_31] : memref<4x64xf32, #tpu.memory_space<vmem>>, vector<1x64xf32>
    %get3A_33 = vector.shape_cast %get3A_32 : vector<1x64xf32> to vector<64xf32>
    %broadcast_in_dim3A = vector.shape_cast %get3A_33 : vector<64xf32> to vector<1x64xf32>
    %add3A_34 = vector.broadcast %broadcast_in_dim3A : vector<1x64xf32> to vector<2000x64xf32>
    %add3A_35 = arith.addf %add3A_23, %add3A_34 : vector<2000x64xf32>
    %reduce_sum3A = arith.constant dense<0.000000e+00> : vector<2000xf32>
    %reduce_sum3A_36 = vector.multi_reduction <add>, %add3A_35, %reduce_sum3A [1] : vector<2000x64xf32> to vector<2000xf32>
    %broadcast_in_dim3A_37 = vector.shape_cast %reduce_sum3A_36 : vector<2000xf32> to vector<2000x1xf32>
    %div3A = arith.constant 6.400000e+01 : f32
    %div3A_38 = vector.broadcast %div3A : f32 to vector<2000x1xf32>
    %div3A_39 = arith.divf %broadcast_in_dim3A_37, %div3A_38 : vector<2000x1xf32>
    %sub3A = vector.broadcast %div3A_39 : vector<2000x1xf32> to vector<2000x64xf32>
    %sub3A_40 = arith.subf %add3A_35, %sub3A : vector<2000x64xf32>
    %square3A = arith.mulf %sub3A_40, %sub3A_40 : vector<2000x64xf32>
    %reduce_sum3A_41 = arith.constant dense<0.000000e+00> : vector<2000xf32>
    %reduce_sum3A_42 = vector.multi_reduction <add>, %square3A, %reduce_sum3A_41 [1] : vector<2000x64xf32> to vector<2000xf32>
    %broadcast_in_dim3A_43 = vector.shape_cast %reduce_sum3A_42 : vector<2000xf32> to vector<2000x1xf32>
    %div3A_44 = arith.constant 6.400000e+01 : f32
    %div3A_45 = vector.broadcast %div3A_44 : f32 to vector<2000x1xf32>
    %div3A_46 = arith.divf %broadcast_in_dim3A_43, %div3A_45 : vector<2000x1xf32>
    %sub3A_47 = vector.broadcast %div3A_39 : vector<2000x1xf32> to vector<2000x64xf32>
    %sub3A_48 = arith.subf %add3A_35, %sub3A_47 : vector<2000x64xf32>
    %add3A_49 = arith.constant 9.99999974E-6 : f32
    %add3A_50 = vector.broadcast %add3A_49 : f32 to vector<2000x1xf32>
    %add3A_51 = arith.addf %div3A_46, %add3A_50 : vector<2000x1xf32>
    %rsqrt3A = math.rsqrt %add3A_51 : vector<2000x1xf32>
    %mul3A = vector.broadcast %rsqrt3A : vector<2000x1xf32> to vector<2000x64xf32>
    %mul3A_52 = arith.mulf %sub3A_48, %mul3A : vector<2000x64xf32>
    %mul3A_53 = vector.broadcast %get3A_26 : vector<1x64xf32> to vector<2000x64xf32>
    %mul3A_54 = arith.mulf %mul3A_52, %mul3A_53 : vector<2000x64xf32>
    %add3A_55 = vector.broadcast %get3A_29 : vector<1x64xf32> to vector<2000x64xf32>
    %add3A_56 = arith.addf %mul3A_54, %add3A_55 : vector<2000x64xf32>
    %swap3A = arith.constant 0 : index
    %swap3A_57 = arith.constant 0 : index
    %swap3A_58 = arith.constant 0 : index
    %swap3A_59 = vector.load %arg10[%swap3A, %swap3A_57, %swap3A_58] : memref<4x2000x64xf32, #tpu.memory_space<vmem>>, vector<1x2000x64xf32>
    %swap3A_60 = vector.shape_cast %swap3A_59 : vector<1x2000x64xf32> to vector<2000x64xf32>
    %swap3A_61 = vector.shape_cast %add3A_56 : vector<2000x64xf32> to vector<1x2000x64xf32>
    tpu.vector_store %arg10[%swap3A, %swap3A_57, %swap3A_58], %swap3A_61 {strides = array<i32>} : memref<4x2000x64xf32, #tpu.memory_space<vmem>>, vector<1x2000x64xf32>,
    %get3A_62 = arith.constant 1 : index
    %get3A_63 = arith.constant 0 : index
    %get3A_64 = vector.load %arg7[%get3A_62, %get3A_63] : memref<4x64xf32, #tpu.memory_space<vmem>>, vector<1x64xf32>
    %get3A_65 = vector.shape_cast %get3A_64 : vector<1x64xf32> to vector<64xf32>
    %broadcast_in_dim3A_66 = vector.shape_cast %get3A_65 : vector<64xf32> to vector<1x64xf32>
    %add3A_67 = vector.broadcast %broadcast_in_dim3A_66 : vector<1x64xf32> to vector<2000x64xf32>
    %add3A_68 = arith.addf %add3A_23, %add3A_67 : vector<2000x64xf32>
    %reduce_sum3A_69 = arith.constant dense<0.000000e+00> : vector<2000xf32>
    %reduce_sum3A_70 = vector.multi_reduction <add>, %add3A_68, %reduce_sum3A_69 [1] : vector<2000x64xf32> to vector<2000xf32>
    %broadcast_in_dim3A_71 = vector.shape_cast %reduce_sum3A_70 : vector<2000xf32> to vector<2000x1xf32>
    %div3A_72 = arith.constant 6.400000e+01 : f32
    %div3A_73 = vector.broadcast %div3A_72 : f32 to vector<2000x1xf32>
    %div3A_74 = arith.divf %broadcast_in_dim3A_71, %div3A_73 : vector<2000x1xf32>
    %sub3A_75 = vector.broadcast %div3A_74 : vector<2000x1xf32> to vector<2000x64xf32>
    %sub3A_76 = arith.subf %add3A_68, %sub3A_75 : vector<2000x64xf32>
    %square3A_77 = arith.mulf %sub3A_76, %sub3A_76 : vector<2000x64xf32>
    %reduce_sum3A_78 = arith.constant dense<0.000000e+00> : vector<2000xf32>
    %reduce_sum3A_79 = vector.multi_reduction <add>, %square3A_77, %reduce_sum3A_78 [1] : vector<2000x64xf32> to vector<2000xf32>
    %broadcast_in_dim3A_80 = vector.shape_cast %reduce_sum3A_79 : vector<2000xf32> to vector<2000x1xf32>
    %div3A_81 = arith.constant 6.400000e+01 : f32
    %div3A_82 = vector.broadcast %div3A_81 : f32 to vector<2000x1xf32>
    %div3A_83 = arith.divf %broadcast_in_dim3A_80, %div3A_82 : vector<2000x1xf32>
    %sub3A_84 = vector.broadcast %div3A_74 : vector<2000x1xf32> to vector<2000x64xf32>
    %sub3A_85 = arith.subf %add3A_68, %sub3A_84 : vector<2000x64xf32>
    %add3A_86 = arith.constant 9.99999974E-6 : f32
    %add3A_87 = vector.broadcast %add3A_86 : f32 to vector<2000x1xf32>
    %add3A_88 = arith.addf %div3A_83, %add3A_87 : vector<2000x1xf32>
    %rsqrt3A_89 = math.rsqrt %add3A_88 : vector<2000x1xf32>
    %mul3A_90 = vector.broadcast %rsqrt3A_89 : vector<2000x1xf32> to vector<2000x64xf32>
    %mul3A_91 = arith.mulf %sub3A_85, %mul3A_90 : vector<2000x64xf32>
    %mul3A_92 = vector.broadcast %get3A_26 : vector<1x64xf32> to vector<2000x64xf32>
    %mul3A_93 = arith.mulf %mul3A_91, %mul3A_92 : vector<2000x64xf32>
    %add3A_94 = vector.broadcast %get3A_29 : vector<1x64xf32> to vector<2000x64xf32>
    %add3A_95 = arith.addf %mul3A_93, %add3A_94 : vector<2000x64xf32>
    %swap3A_96 = arith.constant 1 : index
    %swap3A_97 = arith.constant 0 : index
    %swap3A_98 = arith.constant 0 : index
    %swap3A_99 = vector.load %arg10[%swap3A_96, %swap3A_97, %swap3A_98] : memref<4x2000x64xf32, #tpu.memory_space<vmem>>, vector<1x2000x64xf32>
    %swap3A_100 = vector.shape_cast %swap3A_99 : vector<1x2000x64xf32> to vector<2000x64xf32>
    %swap3A_101 = vector.shape_cast %add3A_95 : vector<2000x64xf32> to vector<1x2000x64xf32>
    tpu.vector_store %arg10[%swap3A_96, %swap3A_97, %swap3A_98], %swap3A_101 {strides = array<i32>} : memref<4x2000x64xf32, #tpu.memory_space<vmem>>, vector<1x2000x64xf32>,
    %get3A_102 = arith.constant 2 : index
    %get3A_103 = arith.constant 0 : index
    %get3A_104 = vector.load %arg7[%get3A_102, %get3A_103] : memref<4x64xf32, #tpu.memory_space<vmem>>, vector<1x64xf32>
    %get3A_105 = vector.shape_cast %get3A_104 : vector<1x64xf32> to vector<64xf32>
    %broadcast_in_dim3A_106 = vector.shape_cast %get3A_105 : vector<64xf32> to vector<1x64xf32>
    %add3A_107 = vector.broadcast %broadcast_in_dim3A_106 : vector<1x64xf32> to vector<2000x64xf32>
    %add3A_108 = arith.addf %add3A_23, %add3A_107 : vector<2000x64xf32>
    %reduce_sum3A_109 = arith.constant dense<0.000000e+00> : vector<2000xf32>
    %reduce_sum3A_110 = vector.multi_reduction <add>, %add3A_108, %reduce_sum3A_109 [1] : vector<2000x64xf32> to vector<2000xf32>
    %broadcast_in_dim3A_111 = vector.shape_cast %reduce_sum3A_110 : vector<2000xf32> to vector<2000x1xf32>
    %div3A_112 = arith.constant 6.400000e+01 : f32
    %div3A_113 = vector.broadcast %div3A_112 : f32 to vector<2000x1xf32>
    %div3A_114 = arith.divf %broadcast_in_dim3A_111, %div3A_113 : vector<2000x1xf32>
    %sub3A_115 = vector.broadcast %div3A_114 : vector<2000x1xf32> to vector<2000x64xf32>
    %sub3A_116 = arith.subf %add3A_108, %sub3A_115 : vector<2000x64xf32>
    %square3A_117 = arith.mulf %sub3A_116, %sub3A_116 : vector<2000x64xf32>
    %reduce_sum3A_118 = arith.constant dense<0.000000e+00> : vector<2000xf32>
    %reduce_sum3A_119 = vector.multi_reduction <add>, %square3A_117, %reduce_sum3A_118 [1] : vector<2000x64xf32> to vector<2000xf32>
    %broadcast_in_dim3A_120 = vector.shape_cast %reduce_sum3A_119 : vector<2000xf32> to vector<2000x1xf32>
    %div3A_121 = arith.constant 6.400000e+01 : f32
    %div3A_122 = vector.broadcast %div3A_121 : f32 to vector<2000x1xf32>
    %div3A_123 = arith.divf %broadcast_in_dim3A_120, %div3A_122 : vector<2000x1xf32>
    %sub3A_124 = vector.broadcast %div3A_114 : vector<2000x1xf32> to vector<2000x64xf32>
    %sub3A_125 = arith.subf %add3A_108, %sub3A_124 : vector<2000x64xf32>
    %add3A_126 = arith.constant 9.99999974E-6 : f32
    %add3A_127 = vector.broadcast %add3A_126 : f32 to vector<2000x1xf32>
    %add3A_128 = arith.addf %div3A_123, %add3A_127 : vector<2000x1xf32>
    %rsqrt3A_129 = math.rsqrt %add3A_128 : vector<2000x1xf32>
    %mul3A_130 = vector.broadcast %rsqrt3A_129 : vector<2000x1xf32> to vector<2000x64xf32>
    %mul3A_131 = arith.mulf %sub3A_125, %mul3A_130 : vector<2000x64xf32>
    %mul3A_132 = vector.broadcast %get3A_26 : vector<1x64xf32> to vector<2000x64xf32>
    %mul3A_133 = arith.mulf %mul3A_131, %mul3A_132 : vector<2000x64xf32>
    %add3A_134 = vector.broadcast %get3A_29 : vector<1x64xf32> to vector<2000x64xf32>
    %add3A_135 = arith.addf %mul3A_133, %add3A_134 : vector<2000x64xf32>
    %swap3A_136 = arith.constant 2 : index
    %swap3A_137 = arith.constant 0 : index
    %swap3A_138 = arith.constant 0 : index
    %swap3A_139 = vector.load %arg10[%swap3A_136, %swap3A_137, %swap3A_138] : memref<4x2000x64xf32, #tpu.memory_space<vmem>>, vector<1x2000x64xf32>
    %swap3A_140 = vector.shape_cast %swap3A_139 : vector<1x2000x64xf32> to vector<2000x64xf32>
    %swap3A_141 = vector.shape_cast %add3A_135 : vector<2000x64xf32> to vector<1x2000x64xf32>
    tpu.vector_store %arg10[%swap3A_136, %swap3A_137, %swap3A_138], %swap3A_141 {strides = array<i32>} : memref<4x2000x64xf32, #tpu.memory_space<vmem>>, vector<1x2000x64xf32>,
    %get3A_142 = arith.constant 3 : index
    %get3A_143 = arith.constant 0 : index
    %get3A_144 = vector.load %arg7[%get3A_142, %get3A_143] : memref<4x64xf32, #tpu.memory_space<vmem>>, vector<1x64xf32>
    %get3A_145 = vector.shape_cast %get3A_144 : vector<1x64xf32> to vector<64xf32>
    %broadcast_in_dim3A_146 = vector.shape_cast %get3A_145 : vector<64xf32> to vector<1x64xf32>
    %add3A_147 = vector.broadcast %broadcast_in_dim3A_146 : vector<1x64xf32> to vector<2000x64xf32>
    %add3A_148 = arith.addf %add3A_23, %add3A_147 : vector<2000x64xf32>
    %reduce_sum3A_149 = arith.constant dense<0.000000e+00> : vector<2000xf32>
    %reduce_sum3A_150 = vector.multi_reduction <add>, %add3A_148, %reduce_sum3A_149 [1] : vector<2000x64xf32> to vector<2000xf32>
    %broadcast_in_dim3A_151 = vector.shape_cast %reduce_sum3A_150 : vector<2000xf32> to vector<2000x1xf32>
    %div3A_152 = arith.constant 6.400000e+01 : f32
    %div3A_153 = vector.broadcast %div3A_152 : f32 to vector<2000x1xf32>
    %div3A_154 = arith.divf %broadcast_in_dim3A_151, %div3A_153 : vector<2000x1xf32>
    %sub3A_155 = vector.broadcast %div3A_154 : vector<2000x1xf32> to vector<2000x64xf32>
    %sub3A_156 = arith.subf %add3A_148, %sub3A_155 : vector<2000x64xf32>
    %square3A_157 = arith.mulf %sub3A_156, %sub3A_156 : vector<2000x64xf32>
    %reduce_sum3A_158 = arith.constant dense<0.000000e+00> : vector<2000xf32>
    %reduce_sum3A_159 = vector.multi_reduction <add>, %square3A_157, %reduce_sum3A_158 [1] : vector<2000x64xf32> to vector<2000xf32>
    %broadcast_in_dim3A_160 = vector.shape_cast %reduce_sum3A_159 : vector<2000xf32> to vector<2000x1xf32>
    %div3A_161 = arith.constant 6.400000e+01 : f32
    %div3A_162 = vector.broadcast %div3A_161 : f32 to vector<2000x1xf32>
    %div3A_163 = arith.divf %broadcast_in_dim3A_160, %div3A_162 : vector<2000x1xf32>
    %sub3A_164 = vector.broadcast %div3A_154 : vector<2000x1xf32> to vector<2000x64xf32>
    %sub3A_165 = arith.subf %add3A_148, %sub3A_164 : vector<2000x64xf32>
    %add3A_166 = arith.constant 9.99999974E-6 : f32
    %add3A_167 = vector.broadcast %add3A_166 : f32 to vector<2000x1xf32>
    %add3A_168 = arith.addf %div3A_163, %add3A_167 : vector<2000x1xf32>
    %rsqrt3A_169 = math.rsqrt %add3A_168 : vector<2000x1xf32>
    %mul3A_170 = vector.broadcast %rsqrt3A_169 : vector<2000x1xf32> to vector<2000x64xf32>
    %mul3A_171 = arith.mulf %sub3A_165, %mul3A_170 : vector<2000x64xf32>
    %mul3A_172 = vector.broadcast %get3A_26 : vector<1x64xf32> to vector<2000x64xf32>
    %mul3A_173 = arith.mulf %mul3A_171, %mul3A_172 : vector<2000x64xf32>
    %add3A_174 = vector.broadcast %get3A_29 : vector<1x64xf32> to vector<2000x64xf32>
    %add3A_175 = arith.addf %mul3A_173, %add3A_174 : vector<2000x64xf32>
    %swap3A_176 = arith.constant 3 : index
    %swap3A_177 = arith.constant 0 : index
    %swap3A_178 = arith.constant 0 : index
    %swap3A_179 = vector.load %arg10[%swap3A_176, %swap3A_177, %swap3A_178] : memref<4x2000x64xf32, #tpu.memory_space<vmem>>, vector<1x2000x64xf32>
    %swap3A_180 = vector.shape_cast %swap3A_179 : vector<1x2000x64xf32> to vector<2000x64xf32>
    %swap3A_181 = vector.shape_cast %add3A_175 : vector<2000x64xf32> to vector<1x2000x64xf32>
    tpu.vector_store %arg10[%swap3A_176, %swap3A_177, %swap3A_178], %swap3A_181 {strides = array<i32>} : memref<4x2000x64xf32, #tpu.memory_space<vmem>>, vector<1x2000x64xf32>,
    return
  }
  func.func @transform_0(%arg0: i32) -> (i32, i32) {
    %c0_i32 = arith.constant 0 : i32
    %c0_i32_0 = arith.constant 0 : i32
    return %arg0, %c0_i32 : i32, i32
  }
  func.func @transform_1(%arg0: i32) -> (i32, i32) {
    %c0_i32 = arith.constant 0 : i32
    %c0_i32_0 = arith.constant 0 : i32
    return %arg0, %c0_i32 : i32, i32
  }
  func.func @transform_2(%arg0: i32) -> (i32, i32) {
    %c0_i32 = arith.constant 0 : i32
    %c0_i32_0 = arith.constant 0 : i32
    %c0_i32_1 = arith.constant 0 : i32
    return %c0_i32, %c0_i32_0 : i32, i32
  }
  func.func @transform_3(%arg0: i32) -> (i32, i32) {
    %c0_i32 = arith.constant 0 : i32
    %c0_i32_0 = arith.constant 0 : i32
    %c0_i32_1 = arith.constant 0 : i32
    return %c0_i32, %c0_i32_0 : i32, i32
  }
  func.func @transform_4(%arg0: i32) -> (i32, i32) {
    %c0_i32 = arith.constant 0 : i32
    %c0_i32_0 = arith.constant 0 : i32
    %c0_i32_1 = arith.constant 0 : i32
    return %c0_i32, %c0_i32_0 : i32, i32
  }
  func.func @transform_5(%arg0: i32) -> (i32, i32) {
    %c0_i32 = arith.constant 0 : i32
    %c0_i32_0 = arith.constant 0 : i32
    %c0_i32_1 = arith.constant 0 : i32
    return %c0_i32, %c0_i32_0 : i32, i32
  }
  func.func @transform_6(%arg0: i32) -> (i32, i32) {
    %c0_i32 = arith.constant 0 : i32
    %c0_i32_0 = arith.constant 0 : i32
    %c0_i32_1 = arith.constant 0 : i32
    return %c0_i32, %c0_i32_0 : i32, i32
  }
  func.func @transform_7(%arg0: i32) -> (i32, i32) {
    %c0_i32 = arith.constant 0 : i32
    %c0_i32_0 = arith.constant 0 : i32
    %c0_i32_1 = arith.constant 0 : i32
    return %c0_i32, %c0_i32_0 : i32, i32
  }
  func.func @transform_8(%arg0: i32) -> (i32, i32) {
    %c0_i32 = arith.constant 0 : i32
    %c0_i32_0 = arith.constant 0 : i32
    %c0_i32_1 = arith.constant 0 : i32
    return %c0_i32, %c0_i32_0 : i32, i32
  }
  func.func @transform_9(%arg0: i32) -> (i32, i32, i32) {
    %c0_i32 = arith.constant 0 : i32
    %c0_i32_0 = arith.constant 0 : i32
    %c0_i32_1 = arith.constant 0 : i32
    return %c0_i32, %arg0, %c0_i32_0 : i32, i32, i32
  }
}

</mosaic_0001>

<sc_bundles>
// kernel: kernel.4.cloned.1.call-start
scs
__scs_entry_jumppad:
0x0: {  	(pc) =	sbr.rel $0x88, $3  }
0x1: {  	(tag) =	ssettag $0x0;
	lr =	simm.s32 $0x1  }
0x2: {  	[smem:$0x3F97] =	sst lr;
	_ =	strace $0xD0000000  }
0x3: {  	_ = 	snop  }
0x4: {  	_ = 	snop  }
0x5: {  	_ = 	snop  }
0x6: {  	_ = 	snop  }
0x7: {  	_ = 	snop  }
__scs_overlays_trampoline_lowered:
0x8: {  	[smem:$0x3FA6] =	sst s0  }
0x9: {  	[smem:$0x3FA7] =	sst s1  }
0xa: {  	[smem:$0x3FA8] =	sst s2  }
0xb: {  	[smem:$0x3FA9] =	sst s3  }
0xc: {  	[smem:$0x3FAA] =	sst s4  }
0xd: {  	[smem:$0x3FAB] =	sst s5  }
0xe: {  	[smem:$0x3FAC] =	sst s6  }
0xf: {  	[smem:$0x3FAD] =	sst s7  }
0x10: {  	[smem:$0x3FAE] =	sst s8  }
0x11: {  	[smem:$0x3FAF] =	sst s9;
	s0 =	simm.s32 @!p0 $0x0  }
0x12: {  	s1 =	sld [smem:$0x3F95];
	s0 =	simm.s32 @p0 $0x1  }
0x13: {  	[smem:$0x3FB0] =	sst s0;
	s0 =	simm.s32 @!p1 $0x0  }
0x14: {  	s2 =	sld [smem:$0x3F94];
	s0 =	simm.s32 @p1 $0x1  }
0x15: {  	[smem:$0x3FB1] =	sst s0;
	s0 =	simm.s32 @!p2 $0x0  }
0x16: {  	s3 =	sld [smem:$0x3FDB];
	s0 =	simm.s32 @p2 $0x1  }
0x17: {  	s4 =	simm.s32 $0x1BF5;
	[smem:$0x3FB3] =	sst s0  }
0x18: {  	s0 =	sld [smem:$0x3F96];
	_ =	swait.ge [sflag:s4], $0x0  }
0x19: {  	s7 =	sld [smem:$0x3F97]  }
0x1a: {  	s8 =	sadd.s32 $0xFFFFE003, lr  }
0x1b: {  	s9 =	sadd.s32 $0xFFFFFEF7, lr;
	s5 =	simm.s32 $0xFFFFFFFF;
	p2 =	slt.u32 s8, $0xFFFFF086  }
0x1c: {  	p1 =	slt.u32 s9, $0xF7A;
	s5 =	simm.s32 @!p2 $0x0  }
0x1d: {  	s5 =	simm.s32 @p1 $0x1;
	p0 =	seq.s32 s7, s2  }
0x1e: {  	s7 =	smul.u32 @!p0 $0xF7A, s2;
	p2 =	seq.s32 @!p0 s5, $0x0  }
0x1f: {  	s9 =	smul.u32 $0xF7A, s1;
	s8 =	simm.s32 @!p0 $0x1BF5;
	p2 =	por !p2, p0  }
0x20: {  	[sflag:s8] =	ssyncset.s32 @!p0 $0xFFFFF086;
	s6 =	sadd.s32 @!p0 s3, s7;
	s7 =	simm.s32 @!p0 $0x108  }
0x21: {  	s3 =	sadd.s32 s3, s9;
	s6 =	sadd.s32 @!p0 $0x88, s6;
	s7 =	simm.s32 @p2 $0x1082  }
0x22: {  	[simem:s7], [sflag:s8] =	dma.local @!p0 [hbm:s6], $0xF7A  }
0x23: {  	s9 =	sor.u32 $0xD0000000, s2;
	s6 =	simm.s32 $0x108;
	_ =	swait.ge @!p0 [sflag:s8], $0x0  }
0x24: {  	s3 =	sadd.s32 $0x88, s3;
	s6 =	simm.s32 @!p1 $0x1082;
	[sflag:s4] =	ssyncset.s32 $0xFFFFF086  }
0x25: {  	[simem:s6], [sflag:s4] =	dma.local [hbm:s3], $0xF7A  }
0x26: {  	[smem:$0x3F97] =	sst s1;
	(tag) =	ssettag s2;
	_ =	strace s9  }
0x27: {  	s1 =	sld [smem:$0x3FA7]  }
0x28: {  	s2 =	sld [smem:$0x3FA8]  }
0x29: {  	s4 =	sld [smem:$0x3FAA]  }
0x2a: {  	p0 =	seq.s32 s5, $0x0;
	s5 =	sld [smem:$0x3FAB]  }
0x2b: {  	s6 =	sld [smem:$0x3FAC]  }
0x2c: {  	s7 =	sld [smem:$0x3FAD]  }
0x2d: {  	s3 =	simm.s32 $0x108;
	s8 =	sld [smem:$0x3FAE]  }
0x2e: {  	s3 =	simm.s32 @!p0 $0x1082;
	s9 =	sld [smem:$0x3FAF]  }
0x2f: {  	lr =	sadd.s32 s0, s3;
	s0 =	sld [smem:$0x3FA6]  }
0x30: {  	s3 =	sld [smem:$0x3FA9]  }
0x31: {  	[smem:$0x3FB2] =	sst s10  }
0x32: {  	s10 =	sld [smem:$0x3FB0];
	_ =	sdelay $0x3  }
0x33: {  	p0 =	seq.s32 s10, $0x1;
	s10 =	sld [smem:$0x3FB2];
	_ =	sdelay $0x3  }
0x34: {  	[smem:$0x3FB2] =	sst s10  }
0x35: {  	s10 =	sld [smem:$0x3FB1];
	_ =	sdelay $0x3  }
0x36: {  	p1 =	seq.s32 s10, $0x1;
	s10 =	sld [smem:$0x3FB2];
	_ =	sdelay $0x3  }
0x37: {  	[smem:$0x3FB2] =	sst s10  }
0x38: {  	s10 =	sld [smem:$0x3FB3]  }
0x39: {  	_ = 	snop;
	(pc) =	sbr.ind lr, $3  }
0x3a: {  	_ = 	snop  }
0x3b: {  	_ = 	snop  }
0x3c: {  	p2 =	seq.s32 s10, $0x1;
	s10 =	sld [smem:$0x3FB2]  }
0x3d: {  	_ =	shalt  }
0x3e: {  	_ =	shalt  }
0x3f: {  	_ =	shalt  }
0x40: {  	_ =	shalt  }
0x41: {  	_ =	shalt  }
0x42: {  	_ =	shalt  }
0x43: {  	_ =	shalt  }
0x44: {  	_ =	shalt  }
0x45: {  	_ =	shalt  }
0x46: {  	_ =	shalt  }
0x47: {  	_ =	shalt  }
0x48: {  	_ =	shalt  }
0x49: {  	_ =	shalt  }
0x4a: {  	_ =	shalt  }
0x4b: {  	_ =	shalt  }
0x4c: {  	_ =	shalt  }
0x4d: {  	_ =	shalt  }
0x4e: {  	_ =	shalt  }
0x4f: {  	_ =	shalt  }
0x50: {  	_ =	shalt  }
0x51: {  	_ =	shalt  }
0x52: {  	_ =	shalt  }
0x53: {  	_ =	shalt  }
0x54: {  	_ =	shalt  }
0x55: {  	_ =	shalt  }
0x56: {  	_ =	shalt  }
0x57: {  	_ =	shalt  }
0x58: {  	_ =	shalt  }
0x59: {  	_ =	shalt  }
0x5a: {  	_ =	shalt  }
0x5b: {  	_ =	shalt  }
0x5c: {  	_ =	shalt  }
0x5d: {  	_ =	shalt  }
0x5e: {  	_ =	shalt  }
0x5f: {  	_ =	shalt  }
0x60: {  	_ =	shalt  }
0x61: {  	_ =	shalt  }
0x62: {  	_ =	shalt  }
0x63: {  	_ =	shalt  }
0x64: {  	_ =	shalt  }
0x65: {  	_ =	shalt  }
0x66: {  	_ =	shalt  }
0x67: {  	_ =	shalt  }
0x68: {  	_ =	shalt  }
0x69: {  	_ =	shalt  }
0x6a: {  	_ =	shalt  }
0x6b: {  	_ =	shalt  }
0x6c: {  	_ =	shalt  }
0x6d: {  	_ =	shalt  }
0x6e: {  	_ =	shalt  }
0x6f: {  	_ =	shalt  }
0x70: {  	_ =	shalt  }
0x71: {  	_ =	shalt  }
0x72: {  	_ =	shalt  }
0x73: {  	_ =	shalt  }
0x74: {  	_ =	shalt  }
0x75: {  	_ =	shalt  }
0x76: {  	_ =	shalt  }
0x77: {  	_ =	shalt  }
0x78: {  	_ =	shalt  }
0x79: {  	_ =	shalt  }
0x7a: {  	_ =	shalt  }
0x7b: {  	_ =	shalt  }
0x7c: {  	_ =	shalt  }
0x7d: {  	_ =	shalt  }
0x7e: {  	_ =	shalt  }
0x7f: {  	_ =	shalt  }
0x80: {  	_ =	shalt  }
0x81: {  	_ =	shalt  }
0x82: {  	_ =	shalt  }
0x83: {  	_ =	shalt  }
0x84: {  	_ =	shalt  }
0x85: {  	_ =	shalt  }
0x86: {  	_ =	shalt  }
0x87: {  	_ =	shalt  }
.Lfunc_end0:
.L_simem_size_0:
called_computation.1_lowered:
.L_overlay_start_0:
0x88: {  	s2 =	sld [smem:$0x3FD9]  }
0x89: {  	s3 =	sld [smem:$0x3FFE];
	_ =	sdelay $0x1  }
0x8a: {  	s1 =	srdreg.scid  }
0x8b: {  	s0 =	sand.u32 $0x1, s1  }
0x8c: {  	s17 =	sshll.u32 s0, $0xA;
	s2 =	sadd.s32 s3, s2  }
0x8d: {  	s2 =	sadd.s32 s2, s17  }
0x8e: {  	[smem:$0x3FBE] =	sst s2  }
0x8f: {  	_ = 	snop  }
0x90: {  	s2 =	sld [smem:$0x3FD0];
	(tm) =	ssettm $0x1  }
0x91: {  	s18 =	sld [smem:$0x3FFB];
	_ =	sdelay $0x3  }
0x92: {  	_ =	strace s18  }
0x93: {  	s3 =	sld [smem:$0x3FFC];
	_ =	sdelay $0x3  }
0x94: {  	_ =	strace s3  }
0x95: {  	s3 =	sld [smem:$0x3FFD];
	_ =	sdelay $0x3  }
0x96: {  	_ =	strace s3  }
0x97: {  	_ =	strace $0x8FFFFFFF  }
0x98: {  	s19 =	sld [smem:$0x3FDB];
	_ =	sdelay $0x1  }
0x99: {  	s4 =	simm.s32 $_scs_section_size  }
0x9a: {  	s5 =	simm.s32 $_size__tile_overlayer_lowered;
	s6 =	simm.s32 $_tile_overlayer_lowered  }
0x9b: {  	s22 =	simm.s32 $0x1BFF;
	s21 =	sshll.u32 s6, $0x1;
	s3 =	sadd.s32 s4, s19  }
0x9c: {  	s7 =	simm.s32 $0x0;
	s20 =	sshll.u32 s5, $0x1;
	s5 =	sadd.s32 s21, s3  }
0x9d: {  	[timem:s7], [sflag:s22] =	dma.local [hbm:s5], s20  }
0x9e: {  	_ =	swait.ge [sflag:s22], s20  }
0x9f: {  	s4 =	ssub.s32 $0x0, s20;
	[sflag:s22] =	ssyncset.done $0x0  }
0xa0: {  	[sflag:s22] =	ssyncadd.s32 s4;
	_ =	sdelay $0x1  }
0xa1: {  	s23 =	simm.s32 $0x1B8B  }
0xa2: {  	_ =	swait.ge [sflag:s23], $0x1  }
0xa3: {  	[sflag:s23] =	ssyncset.done $0x0  }
0xa4: {  	s25 =	simm.s32 $0x1B8E;
	s24 =	sld [smem:$0x3FFE];
	[sflag:s23] =	ssyncadd.s32 $0xFFFFFFFF  }
0xa5: {  	s26 =	simm.s32 $execute0_lowered;
	[smem:$0x3FD2] =	sst s25  }
0xa6: {  	s5 =	sshll.u32 s26, $0x1;
	_ =	strace $0x80000046;
	[dreg:$0x1] =	wrdreg $0xFFFFFFFF  }
0xa7: {  	s28 =	simm.s32 $_size_execute0_lowered;
	s3 =	sadd.s32 s3, s5;
	[dreg:$0x0] =	wrdreg $0x0  }
0xa8: {  	s5 =	sshll.u32 s28, $0x1;
	[dreg:$0x2] =	wrdreg s3  }
0xa9: {  	[dreg:$0x3] =	wrdreg s5  }
0xaa: {  	[dreg:$0x4] =	wrdreg $0xC0  }
0xab: {  	_ =	task [dreg:s7], $0x5FFFF  }
0xac: {  	[dreg:$0x1] =	wrdreg $0xFFFFFFFF  }
0xad: {  	[dreg:$0x0] =	wrdreg $0x60  }
0xae: {  	[dreg:$0x2] =	wrdreg s24  }
0xaf: {  	[dreg:$0x3] =	wrdreg s2  }
0xb0: {  	[dreg:$0x4] =	wrdreg $0x9  }
0xb1: {  	_ =	task.clear_ibuf [dreg:s7], $0x5FFFF;
	_ =	strace $0x90000046  }
0xb2: {  	s29 =	simm.s32 $0x9;
	_ =	strace $0x80000048  }
0xb3: {  	_ =	swait.ge [sflag:s29], $0x1  }
0xb4: {  	[sflag:s29] =	ssyncadd.s32 $0xFFFFFFFF  }
0xb5: {  	_ =	strace $0x90000048  }
0xb6: {  	_ =	sfence  }
0xb7: {  	s30 =	sld [smem:$0x0];
	_ =	sdelay $0x2  }
0xb8: {  	s31 =	sshll.u32 s1, $0xD;
	s1 =	sshrl.u32 s1, $0x2  }
0xb9: {  	s3 =	sand.u32 $0x4000, s31;
	s1 =	sadd.s32 s1, s30  }
0xba: {  	s0 =	sor.u32 s3, s0;
	s1 =	sshll.u32 s1, $0x11  }
0xbb: {  	s0 =	sor.u32 s1, s0  }
0xbc: {  	s0 =	sadd.s32 $0x8F2B, s0  }
0xbd: {  	[sflag:s0] =	ssyncadd.remote.s32 $0x1  }
0xbe: {  	_ =	sfence.sel $0xFFFF  }
0xbf: {  	[dreg:$0x0] =	wrdreg $0xFFFFFFFF;
	(pc) =	sbr.abs _section_cstart, $3  }
0xc0: {  	[dreg:$0x1] =	wrdreg $0xFFFFFFFF  }
0xc1: {  	_ =	task.clear_ibuf [dreg:s7], $0x2FFFF;
	_ =	strace $0x9FFFFFFF  }
0xc2: {  	(tm) =	ssettm $0x7FFFFFFF  }
0xc3: {  	_ =	shalt  }
tec
execute0_lowered:
.L_overlay_start_1:
0x0: {  	(tag) =	ssettag $0x1  }
0x1: {  	s4 =	rddreg [dreg:$0x0]  }
0x2: {  	s5 =	rddreg [dreg:$0x1]  }
0x3: {  	s0 =	rddreg [dreg:$0x2];
	s2 =	simm.s32 $0x0  }
0x4: {  	s11 =	simm.s32 $0x320;
	[smem:$0x7FF] =	sst s2  }
0x5: {  	s12 =	simm.s32 $0x370;
	_ =	strace $0x80000047;
	[dreg:$0x3] =	wrdreg s11  }
0x6: {  	s9 =	simm.s32 $0x1A40;
	[dreg:$0x4] =	wrdreg s12  }
0x7: {  	s13 =	simm.s32 $0x3C0;
	[dreg:$0x5] =	wrdreg s9  }
0x8: {  	s14 =	simm.s32 $0x2E40;
	[dreg:$0x6] =	wrdreg s13  }
0x9: {  	s15 =	simm.s32 $0x410;
	[dreg:$0x7] =	wrdreg s14  }
0xa: {  	s16 =	simm.s32 $0x4240;
	[dreg:$0x8] =	wrdreg s15  }
0xb: {  	s18 =	simm.s32 $0x460;
	[dreg:$0x9] =	wrdreg s16  }
0xc: {  	s20 =	simm.s32 $0x5640;
	[dreg:$0xa] =	wrdreg s18  }
0xd: {  	s21 =	simm.s32 $0x4B0;
	[dreg:$0xb] =	wrdreg s20  }
0xe: {  	s3 =	srdreg.scid;
	s22 =	simm.s32 $0x6A40;
	[dreg:$0xc] =	wrdreg s21  }
0xf: {  	s1 =	stileid.u32;
	s24 =	simm.s32 $0x500;
	[dreg:$0xd] =	wrdreg s22  }
0x10: {  	s25 =	simm.s32 $0x7E40;
	s26 =	simm.s32 $0x550;
	[dreg:$0xe] =	wrdreg s24  }
0x11: {  	s28 =	simm.s32 $0x9240;
	s29 =	simm.s32 $0x5A0;
	[dreg:$0xf] =	wrdreg s25  }
0x12: {  	s30 =	simm.s32 $0xA640;
	s10 =	simm.s32 $0x5F0;
	[dreg:$0x10] =	wrdreg s26  }
0x13: {  	s31 =	simm.s32 $0xBA40;
	s7 =	smul.u32 $0x9C40, s1;
	[dreg:$0x11] =	wrdreg s28  }
0x14: {  	s6 =	sand.u32 $0x1, s3;
	s23 =	smul.u32 $0x4E200, s1;
	[dreg:$0x12] =	wrdreg s29  }
0x15: {  	s3 =	sadd.s32 $0x15000, s4;
	s8 =	smul.u32 $0x4E20, s6;
	[dreg:$0x13] =	wrdreg s30  }
0x16: {  	s17 =	ssub.s32 $0x2, s6;
	s6 =	smul.u32 $0x27100, s6;
	[dreg:$0x14] =	wrdreg s10  }
0x17: {  	s9 =	simm.s32 $0x640;
	[dreg:$0x15] =	wrdreg s31;
	s10 =	simm.s32 $0x1  }
0x18: {  	s11 =	simm.s32 $0x0;
	s19 =	sshrl.u32 s17, $0x1;
	s7 =	sadd.s32 s8, s7  }
0x19: {  	s5 =	sadd.s32 s23, s5;
	s8 =	ssub.s32 s17, s19;
	s7 =	sshrl.u32 s7, $0x3  }
0x1a: {  	s5 =	sadd.s32 s6, s5;
	s7 =	sadd.s32 s7, s4;
	s4 =	smax.u32 s8, $0x1  }
0x1b: {  	v0 =	vlaneseq.u32;
	s8 =	simm.s32 $0x50;
	s6 =	sadd.s32 $0x1600, s7;
	s7 =	simm.s32 $0x2  }
.LBB2_1:
0x1c: {  	s12 =	simm.s32 $0x310;
	s13 =	smov.u32 s6;
	s14 =	smov.u32 s5  }
.LBB2_2:
0x1d: {  	[tilespmem:s2], [sflag:$0x2] =	stream.linear.gather [hbm4b:s13+s2], $0x320, $0x38;
	[tilespmem:$0xCE40] =	vst v63  }
0x1e: {  	_ =	swait.ge [sflag:s7], $0x320  }
0x1f: {  	[sflag:s7] =	ssyncset.done $0x0  }
0x20: {  	[sflag:s7] =	ssyncadd.s32 $0xFFFFFCE0  }
0x21: {  	v1 =	vld [tilespmem:$0x0]  }
0x22: {  	v2 =	vld [tilespmem:$0x10]  }
0x23: {  	v3 =	vld [tilespmem:$0x20]  }
0x24: {  	v4 =	vld [tilespmem:$0x30]  }
0x25: {  	v5 =	vld [tilespmem:$0x40]  }
0x26: {  	v6 =	vld [tilespmem:$0x50];
	v1 =	vmul.u32 $0x4E20, v1  }
0x27: {  	s15 =	sadd.s32 $0xFFFFFCF0, s12;
	v7 =	vld [tilespmem:$0x60];
	v2 =	vmul.u32 $0x4E20, v2  }
0x28: {  	s24 =	sadd.s32 $0xFFFFFD00, s12;
	v8 =	vld [tilespmem:$0x70];
	v3 =	vmul.u32 $0x4E20, v3;
	v1 =	vadd.s32 s15, v1  }
0x29: {  	s25 =	sadd.s32 $0xFFFFFD10, s12;
	v9 =	vld [tilespmem:$0x80];
	v4 =	vmul.u32 $0x4E20, v4;
	v2 =	vadd.s32 s24, v2;
	v1 =	vadd.s32 v0, v1  }
0x2a: {  	s26 =	sadd.s32 $0xFFFFFD20, s12;
	v52 =	vld [tilespmem:$0x90];
	[tilespmem:$0x320] =	vst v1;
	v1 =	vadd.s32 v0, v2;
	v2 =	vadd.s32 s25, v3;
	v3 =	vmul.u32 $0x4E20, v5  }
0x2b: {  	s28 =	sadd.s32 $0xFFFFFD30, s12;
	v54 =	vld [tilespmem:$0xA0];
	v53 =	vmul.u32 $0x4E20, v6;
	[tilespmem:$0x330] =	vst v1;
	v1 =	vadd.s32 v0, v2;
	v2 =	vadd.s32 s26, v4  }
0x2c: {  	s29 =	sadd.s32 $0xFFFFFD40, s12;
	v55 =	vld [tilespmem:$0xB0];
	[tilespmem:$0x340] =	vst v1;
	v1 =	vadd.s32 v0, v2;
	v2 =	vadd.s32 s28, v3;
	v3 =	vmul.u32 $0x4E20, v7  }
0x2d: {  	s30 =	sadd.s32 $0xFFFFFD50, s12;
	v57 =	vld [tilespmem:$0xC0];
	v56 =	vmul.u32 $0x4E20, v8;
	[tilespmem:$0x350] =	vst v1;
	v1 =	vadd.s32 v0, v2;
	v2 =	vadd.s32 s29, v53  }
0x2e: {  	s31 =	sadd.s32 $0xFFFFFD60, s12;
	v58 =	vld [tilespmem:$0xD0];
	[tilespmem:$0x360] =	vst v1;
	v1 =	vadd.s32 v0, v2;
	v2 =	vadd.s32 s30, v3;
	v3 =	vmul.u32 $0x4E20, v9  }
0x2f: {  	s16 =	sadd.s32 $0xFFFFFD70, s12;
	v60 =	vld [tilespmem:$0xE0];
	v59 =	vmul.u32 $0x4E20, v52;
	[tilespmem:$0x370] =	vst v1;
	v1 =	vadd.s32 v0, v2;
	v2 =	vadd.s32 s31, v56  }
0x30: {  	s17 =	sadd.s32 $0xFFFFFD80, s12;
	v61 =	vld [tilespmem:$0xF0];
	[tilespmem:$0x380] =	vst v1;
	v1 =	vadd.s32 v0, v2;
	v2 =	vadd.s32 s16, v3;
	v3 =	vmul.u32 $0x4E20, v54  }
0x31: {  	s18 =	sadd.s32 $0xFFFFFD90, s12;
	v63 =	vld [tilespmem:$0x100];
	v62 =	vmul.u32 $0x4E20, v55;
	[tilespmem:$0x390] =	vst v1;
	v1 =	vadd.s32 v0, v2;
	v2 =	vadd.s32 s17, v59  }
0x32: {  	s19 =	sadd.s32 $0xFFFFFDA0, s12;
	v12 =	vld [tilespmem:$0x110];
	[tilespmem:$0x3A0] =	vst v1;
	v1 =	vadd.s32 v0, v2;
	v2 =	vadd.s32 s18, v3;
	v3 =	vmul.u32 $0x4E20, v57  }
0x33: {  	s20 =	sadd.s32 $0xFFFFFDB0, s12;
	v14 =	vld [tilespmem:$0x120];
	v13 =	vmul.u32 $0x4E20, v58;
	[tilespmem:$0x3B0] =	vst v1;
	v1 =	vadd.s32 v0, v2;
	v2 =	vadd.s32 s19, v62  }
0x34: {  	s21 =	sadd.s32 $0xFFFFFDC0, s12;
	v15 =	vld [tilespmem:$0x130];
	[tilespmem:$0x3C0] =	vst v1;
	v1 =	vadd.s32 v0, v2;
	v2 =	vadd.s32 s20, v3;
	v3 =	vmul.u32 $0x4E20, v60  }
0x35: {  	s22 =	sadd.s32 $0xFFFFFDD0, s12;
	v17 =	vld [tilespmem:$0x140];
	v16 =	vmul.u32 $0x4E20, v61;
	[tilespmem:$0x3D0] =	vst v1;
	v1 =	vadd.s32 v0, v2;
	v2 =	vadd.s32 s21, v13  }
0x36: {  	s23 =	sadd.s32 $0xFFFFFDE0, s12;
	v18 =	vld [tilespmem:$0x150];
	[tilespmem:$0x3E0] =	vst v1;
	v1 =	vadd.s32 v0, v2;
	v2 =	vadd.s32 s22, v3;
	v3 =	vmul.u32 $0x4E20, v63  }
0x37: {  	v20 =	vld [tilespmem:$0x160];
	v19 =	vmul.u32 $0x4E20, v12;
	s24 =	sadd.s32 $0xFFFFFDF0, s12;
	[tilespmem:$0x3F0] =	vst v1;
	v1 =	vadd.s32 v0, v2;
	v2 =	vadd.s32 s23, v16  }
0x38: {  	v21 =	vld [tilespmem:$0x170];
	s25 =	sadd.s32 $0xFFFFFE00, s12;
	[tilespmem:$0x400] =	vst v1;
	v1 =	vadd.s32 v0, v2;
	v2 =	vadd.s32 s24, v3;
	v3 =	vmul.u32 $0x4E20, v14  }
0x39: {  	v23 =	vld [tilespmem:$0x180];
	v22 =	vmul.u32 $0x4E20, v15;
	s26 =	sadd.s32 $0xFFFFFE10, s12;
	[tilespmem:$0x410] =	vst v1;
	v1 =	vadd.s32 v0, v2;
	v2 =	vadd.s32 s25, v19  }
0x3a: {  	v24 =	vld [tilespmem:$0x190];
	s28 =	sadd.s32 $0xFFFFFE20, s12;
	[tilespmem:$0x420] =	vst v1;
	v1 =	vadd.s32 v0, v2;
	v2 =	vadd.s32 s26, v3;
	v3 =	vmul.u32 $0x4E20, v17  }
0x3b: {  	v26 =	vld [tilespmem:$0x1A0];
	v25 =	vmul.u32 $0x4E20, v18;
	s29 =	sadd.s32 $0xFFFFFE30, s12;
	[tilespmem:$0x430] =	vst v1;
	v1 =	vadd.s32 v0, v2;
	v2 =	vadd.s32 s28, v22  }
0x3c: {  	v27 =	vld [tilespmem:$0x1B0];
	s30 =	sadd.s32 $0xFFFFFE40, s12;
	[tilespmem:$0x440] =	vst v1;
	v1 =	vadd.s32 v0, v2;
	v2 =	vadd.s32 s29, v3;
	v3 =	vmul.u32 $0x4E20, v20  }
0x3d: {  	v29 =	vld [tilespmem:$0x1C0];
	v28 =	vmul.u32 $0x4E20, v21;
	s31 =	sadd.s32 $0xFFFFFE50, s12;
	[tilespmem:$0x450] =	vst v1;
	v1 =	vadd.s32 v0, v2;
	v2 =	vadd.s32 s30, v25  }
0x3e: {  	v30 =	vld [tilespmem:$0x1D0];
	s16 =	sadd.s32 $0xFFFFFE60, s12;
	[tilespmem:$0x460] =	vst v1;
	v1 =	vadd.s32 v0, v2;
	v2 =	vadd.s32 s31, v3;
	v3 =	vmul.u32 $0x4E20, v23  }
0x3f: {  	v32 =	vld [tilespmem:$0x1E0];
	v31 =	vmul.u32 $0x4E20, v24;
	s17 =	sadd.s32 $0xFFFFFE70, s12;
	[tilespmem:$0x470] =	vst v1;
	v1 =	vadd.s32 v0, v2;
	v2 =	vadd.s32 s16, v28  }
0x40: {  	v33 =	vld [tilespmem:$0x1F0];
	s18 =	sadd.s32 $0xFFFFFE80, s12;
	[tilespmem:$0x480] =	vst v1;
	v1 =	vadd.s32 v0, v2;
	v2 =	vadd.s32 s17, v3;
	v3 =	vmul.u32 $0x4E20, v26  }
0x41: {  	v35 =	vld [tilespmem:$0x200];
	v34 =	vmul.u32 $0x4E20, v27;
	s19 =	sadd.s32 $0xFFFFFE90, s12;
	[tilespmem:$0x490] =	vst v1;
	v1 =	vadd.s32 v0, v2;
	v2 =	vadd.s32 s18, v31  }
0x42: {  	v36 =	vld [tilespmem:$0x210];
	s20 =	sadd.s32 $0xFFFFFEA0, s12;
	[tilespmem:$0x4A0] =	vst v1;
	v1 =	vadd.s32 v0, v2;
	v2 =	vadd.s32 s19, v3;
	v3 =	vmul.u32 $0x4E20, v29  }
0x43: {  	v38 =	vld [tilespmem:$0x220];
	v37 =	vmul.u32 $0x4E20, v30;
	s21 =	sadd.s32 $0xFFFFFEB0, s12;
	[tilespmem:$0x4B0] =	vst v1;
	v1 =	vadd.s32 v0, v2;
	v2 =	vadd.s32 s20, v34  }
0x44: {  	v39 =	vld [tilespmem:$0x230];
	s22 =	sadd.s32 $0xFFFFFEC0, s12;
	[tilespmem:$0x4C0] =	vst v1;
	v1 =	vadd.s32 v0, v2;
	v2 =	vadd.s32 s21, v3;
	v3 =	vmul.u32 $0x4E20, v32  }
0x45: {  	v41 =	vld [tilespmem:$0x240];
	v40 =	vmul.u32 $0x4E20, v33;
	s23 =	sadd.s32 $0xFFFFFED0, s12;
	[tilespmem:$0x4D0] =	vst v1;
	v1 =	vadd.s32 v0, v2;
	v2 =	vadd.s32 s22, v37  }
0x46: {  	v42 =	vld [tilespmem:$0x250];
	s24 =	sadd.s32 $0xFFFFFEE0, s12;
	[tilespmem:$0x4E0] =	vst v1;
	v1 =	vadd.s32 v0, v2;
	v2 =	vadd.s32 s23, v3;
	v3 =	vmul.u32 $0x4E20, v35  }
0x47: {  	v44 =	vld [tilespmem:$0x260];
	v43 =	vmul.u32 $0x4E20, v36;
	s25 =	sadd.s32 $0xFFFFFEF0, s12;
	[tilespmem:$0x4F0] =	vst v1;
	v1 =	vadd.s32 v0, v2;
	v2 =	vadd.s32 s24, v40  }
0x48: {  	v45 =	vld [tilespmem:$0x270];
	s26 =	sadd.s32 $0xFFFFFF00, s12;
	[tilespmem:$0x500] =	vst v1;
	v1 =	vadd.s32 v0, v2;
	v2 =	vadd.s32 s25, v3;
	v3 =	vmul.u32 $0x4E20, v38  }
0x49: {  	v47 =	vld [tilespmem:$0x280];
	v46 =	vmul.u32 $0x4E20, v39;
	s28 =	sadd.s32 $0xFFFFFF10, s12;
	[tilespmem:$0x510] =	vst v1;
	v1 =	vadd.s32 v0, v2;
	v2 =	vadd.s32 s26, v43  }
0x4a: {  	v48 =	vld [tilespmem:$0x290];
	s29 =	sadd.s32 $0xFFFFFF20, s12;
	[tilespmem:$0x520] =	vst v1;
	v1 =	vadd.s32 v0, v2;
	v2 =	vadd.s32 s28, v3;
	v3 =	vmul.u32 $0x4E20, v41  }
0x4b: {  	v50 =	vld [tilespmem:$0x2A0];
	v49 =	vmul.u32 $0x4E20, v42;
	s30 =	sadd.s32 $0xFFFFFF30, s12;
	[tilespmem:$0x530] =	vst v1;
	v1 =	vadd.s32 v0, v2;
	v2 =	vadd.s32 s29, v46  }
0x4c: {  	v51 =	vld [tilespmem:$0x2B0];
	s31 =	sadd.s32 $0xFFFFFF40, s12;
	[tilespmem:$0x540] =	vst v1;
	v1 =	vadd.s32 v0, v2;
	v2 =	vadd.s32 s30, v3;
	v3 =	vmul.u32 $0x4E20, v44  }
0x4d: {  	v52 =	vmul.u32 $0x4E20, v45;
	v53 =	vld [tilespmem:$0x2C0];
	s16 =	sadd.s32 $0xFFFFFF50, s12;
	[tilespmem:$0x550] =	vst v1;
	v1 =	vadd.s32 v0, v2;
	v2 =	vadd.s32 s31, v49  }
0x4e: {  	v54 =	vld [tilespmem:$0x2D0];
	s17 =	sadd.s32 $0xFFFFFF60, s12;
	[tilespmem:$0x560] =	vst v1;
	v1 =	vadd.s32 v0, v2;
	v2 =	vadd.s32 s16, v3;
	v3 =	vmul.u32 $0x4E20, v47  }
0x4f: {  	v55 =	vmul.u32 $0x4E20, v48;
	v56 =	vld [tilespmem:$0x2E0];
	s18 =	sadd.s32 $0xFFFFFF70, s12;
	[tilespmem:$0x570] =	vst v1;
	v1 =	vadd.s32 v0, v2;
	v2 =	vadd.s32 s17, v52  }
0x50: {  	v57 =	vld [tilespmem:$0x2F0];
	s19 =	sadd.s32 $0xFFFFFF80, s12;
	[tilespmem:$0x580] =	vst v1;
	v1 =	vadd.s32 v0, v2;
	v2 =	vadd.s32 s18, v3;
	v3 =	vmul.u32 $0x4E20, v50  }
0x51: {  	v58 =	vmul.u32 $0x4E20, v51;
	v59 =	vld [tilespmem:$0x300];
	s20 =	sadd.s32 $0xFFFFFF90, s12;
	[tilespmem:$0x590] =	vst v1;
	v1 =	vadd.s32 v0, v2;
	v2 =	vadd.s32 s19, v55  }
0x52: {  	v60 =	vld [tilespmem:$0x310];
	s21 =	sadd.s32 $0xFFFFFFA0, s12;
	s28 =	rddreg [dreg:$0x3];
	[tilespmem:$0x5A0] =	vst v1;
	v1 =	vadd.s32 v0, v2;
	v2 =	vadd.s32 s20, v3;
	v3 =	vmul.u32 $0x4E20, v53  }
0x53: {  	v61 =	vmul.u32 $0x4E20, v54;
	s22 =	sadd.s32 $0xFFFFFFB0, s12;
	s29 =	rddreg [dreg:$0x6];
	[tilespmem:$0x5B0] =	vst v1;
	v1 =	vadd.s32 v0, v2;
	v2 =	vadd.s32 s21, v58  }
0x54: {  	s23 =	sadd.s32 $0xFFFFFFC0, s12;
	s30 =	rddreg [dreg:$0x7];
	[tilespmem:$0x5C0] =	vst v1;
	v1 =	vadd.s32 v0, v2;
	v2 =	vadd.s32 s22, v3;
	v3 =	vmul.u32 $0x4E20, v56  }
0x55: {  	v62 =	vmul.u32 $0x4E20, v57;
	s24 =	sadd.s32 $0xFFFFFFD0, s12;
	s31 =	rddreg [dreg:$0x8];
	[tilespmem:$0x5D0] =	vst v1;
	v1 =	vadd.s32 v0, v2;
	v2 =	vadd.s32 s23, v61  }
0x56: {  	s25 =	sadd.s32 $0xFFFFFFE0, s12;
	s16 =	rddreg [dreg:$0x4];
	[tilespmem:$0x5E0] =	vst v1;
	v1 =	vadd.s32 v0, v2;
	v2 =	vadd.s32 s24, v3;
	v3 =	vmul.u32 $0x4E20, v59  }
0x57: {  	v63 =	vmul.u32 $0x4E20, v60;
	s26 =	sadd.s32 $0xFFFFFFF0, s12;
	s17 =	rddreg [dreg:$0x5];
	[tilespmem:$0x5F0] =	vst v1;
	v1 =	vadd.s32 v0, v2;
	v2 =	vadd.s32 s25, v62  }
0x58: {  	s18 =	rddreg [dreg:$0x9];
	[tilespmem:$0x600] =	vst v1;
	v1 =	vadd.s32 v0, v2;
	v2 =	vadd.s32 s26, v3  }
0x59: {  	s19 =	rddreg [dreg:$0xa];
	[tilespmem:$0x610] =	vst v1;
	v1 =	vadd.s32 v0, v2;
	v2 =	vadd.s32 s12, v63  }
0x5a: {  	s20 =	rddreg [dreg:$0xb];
	[tilespmem:$0x620] =	vst v1;
	v1 =	vadd.s32 v0, v2  }
0x5b: {  	s21 =	rddreg [dreg:$0xc];
	[tilespmem:$0x630] =	vst v1  }
0x5c: {  	[tilespmem:s9], [sflag:$0x1] =	stream.indirect.gather [hbm4b:s3+s8], $0x40, s28, s8, $0xb8;
	[tilespmem:$0xCE40] =	vst v63  }
0x5d: {  	s22 =	rddreg [dreg:$0xd]  }
0x5e: {  	[tilespmem:s17], [sflag:$0x1] =	stream.indirect.gather [hbm4b:s3+s8], $0x40, s16, s8, $0xb8;
	[tilespmem:$0xCE40] =	vst v63  }
0x5f: {  	s23 =	rddreg [dreg:$0xe]  }
0x60: {  	[tilespmem:s30], [sflag:$0x1] =	stream.indirect.gather [hbm4b:s3+s8], $0x40, s29, s8, $0xb8;
	[tilespmem:$0xCE40] =	vst v63  }
0x61: {  	s24 =	rddreg [dreg:$0xf]  }
0x62: {  	[tilespmem:s18], [sflag:$0x1] =	stream.indirect.gather [hbm4b:s3+s8], $0x40, s31, s8, $0xb8;
	[tilespmem:$0xCE40] =	vst v63  }
0x63: {  	s25 =	rddreg [dreg:$0x10]  }
0x64: {  	[tilespmem:s20], [sflag:$0x1] =	stream.indirect.gather [hbm4b:s3+s8], $0x40, s19, s8, $0xb8;
	[tilespmem:$0xCE40] =	vst v63  }
0x65: {  	s26 =	rddreg [dreg:$0x11]  }
0x66: {  	[tilespmem:s22], [sflag:$0x1] =	stream.indirect.gather [hbm4b:s3+s8], $0x40, s21, s8, $0xb8;
	[tilespmem:$0xCE40] =	vst v63  }
0x67: {  	s28 =	rddreg [dreg:$0x12]  }
0x68: {  	[tilespmem:s24], [sflag:$0x1] =	stream.indirect.gather [hbm4b:s3+s8], $0x40, s23, s8, $0xb8;
	[tilespmem:$0xCE40] =	vst v63  }
0x69: {  	s29 =	rddreg [dreg:$0x13]  }
0x6a: {  	[tilespmem:s26], [sflag:$0x1] =	stream.indirect.gather [hbm4b:s3+s8], $0x40, s25, s8, $0xb8;
	[tilespmem:$0xCE40] =	vst v63  }
0x6b: {  	s30 =	rddreg [dreg:$0x14]  }
0x6c: {  	[tilespmem:s29], [sflag:$0x1] =	stream.indirect.gather [hbm4b:s3+s8], $0x40, s28, s8, $0xb8;
	[tilespmem:$0xCE40] =	vst v63  }
0x6d: {  	s31 =	rddreg [dreg:$0x15]  }
0x6e: {  	[tilespmem:s31], [sflag:$0x1] =	stream.indirect.gather [hbm4b:s3+s8], $0x40, s30, s8, $0xb8;
	[tilespmem:$0xCE40] =	vst v63  }
0x6f: {  	_ =	swait.ge [sflag:s10], $0x1400  }
0x70: {  	[sflag:s10] =	ssyncset.done $0x0  }
0x71: {  	[sflag:s10] =	ssyncadd.s32 $0xFFFFEC00  }
0x72: {  	_ =	swait.ge [sflag:s10], $0x1400  }
0x73: {  	[sflag:s10] =	ssyncset.done $0x0  }
0x74: {  	[sflag:s10] =	ssyncadd.s32 $0xFFFFEC00  }
0x75: {  	_ =	swait.ge [sflag:s10], $0x1400  }
0x76: {  	[sflag:s10] =	ssyncset.done $0x0  }
0x77: {  	[sflag:s10] =	ssyncadd.s32 $0xFFFFEC00  }
0x78: {  	_ =	swait.ge [sflag:s10], $0x1400  }
0x79: {  	[sflag:s10] =	ssyncset.done $0x0  }
0x7a: {  	[sflag:s10] =	ssyncadd.s32 $0xFFFFEC00  }
0x7b: {  	_ =	swait.ge [sflag:s10], $0x1400  }
0x7c: {  	[sflag:s10] =	ssyncset.done $0x0  }
0x7d: {  	[sflag:s10] =	ssyncadd.s32 $0xFFFFEC00  }
0x7e: {  	_ =	swait.ge [sflag:s10], $0x1400  }
0x7f: {  	[sflag:s10] =	ssyncset.done $0x0  }
0x80: {  	[sflag:s10] =	ssyncadd.s32 $0xFFFFEC00  }
0x81: {  	_ =	swait.ge [sflag:s10], $0x1400  }
0x82: {  	[sflag:s10] =	ssyncset.done $0x0  }
0x83: {  	[sflag:s10] =	ssyncadd.s32 $0xFFFFEC00  }
0x84: {  	_ =	swait.ge [sflag:s10], $0x1400  }
0x85: {  	[sflag:s10] =	ssyncset.done $0x0  }
0x86: {  	[sflag:s10] =	ssyncadd.s32 $0xFFFFEC00  }
0x87: {  	_ =	swait.ge [sflag:s10], $0x1400  }
0x88: {  	[sflag:s10] =	ssyncset.done $0x0  }
0x89: {  	[sflag:s10] =	ssyncadd.s32 $0xFFFFEC00  }
0x8a: {  	_ =	swait.ge [sflag:s10], $0x1400  }
0x8b: {  	p0 =	sne.s32 s12, $0x4E10;
	[sflag:s10] =	ssyncset.done $0x0  }
.Ltmp0:
0x8c: {  	[sflag:s10] =	ssyncadd.s32 $0xFFFFEC00;
	(pc) =	sbr.rel @p0 .LBB2_2-.Ltmp0, $4  }
0x8d: {  	[hbm4b:s14+s2] =	stream.linear.scatter [tilespmem:s9], [sflag:$0x2], $0xC800, $0x38;
	[tilespmem:$0xCE40] =	vst v63  }
0x8e: {  	_ =	swait.ge [sflag:s7], $0xC800  }
0x8f: {  	s13 =	sadd.s32 $0x64, s13;
	[sflag:s7] =	ssyncset.done $0x0  }
0x90: {  	s12 =	sadd.s32 $0x320, s12;
	s14 =	sadd.s32 $0x1900, s14;
	[sflag:s7] =	ssyncadd.s32 $0xFFFF3800  }
0x91: {  	s11 =	sadd.s32 $0x1, s11  }
0x92: {  	p0 =	sne.s32 s11, s4  }
.Ltmp1:
0x93: {  	_ = 	snop;
	(pc) =	sbr.rel @p0 .LBB2_1-.Ltmp1, $1  }
0x94: {  	_ =	sdelay $0x3  }
0x95: {  	_ =	sfence.sel $0x180000  }
0x96: {  	[bflag:$0x0] =	sbarrier.arrive $0xFFFF  }
0x97: {  	p0 =	sne.s32 s1, $0x0;
	_ =	strace $0x90000047  }
0x98: {  	s0 =	sadd.s32 @!p0 $0x100000, s0;
	[bflag:$0x2] =	sbarrier.arrive $0xFFFF  }
0x99: {  	[sflag:s0] =	ssyncadd.tile.s32 @!p0 $0x1;
	_ =	shalt  }
.Lfunc_end2:
_tile_overlayer_lowered:
.L_overlay_start_2:
0x9a: {  	(tag) =	ssettag $0x2  }
0x9b: {  	s0 =	rddreg [dreg:$0x0];
	s2 =	stileid.u32  }
0x9c: {  	s1 =	rddreg [dreg:$0x1];
	p0 =	sne.s32 s2, $0x0  }
0x9d: {  	s3 =	rddreg [dreg:$0x2];
	[bflag:$0x3] =	sbarrier.arrive $0xFFFF;
	s2 =	simm.s32 @!p0 $0x1C02  }
0x9e: {  	[timem:s3], [sflag:s2] =	dma.local @!p0 [hbm:s0], s1  }
0x9f: {  	s0 =	simm.s32 @!p0 $0x2  }
0xa0: {  	_ =	swait.ge @!p0 [sflag:s0], s1  }
0xa1: {  	s1 =	ssub.s32 @!p0 $0x0, s1;
	[sflag:s0] =	ssyncset.done @!p0 $0x0  }
0xa2: {  	[sflag:s0] =	ssyncadd.s32 @!p0 s1  }
0xa3: {  	[bflag:$0x3] =	sbarrier.arrive $0xFFFF  }
0xa4: {  	_ =	shalt  }

// kernel: sparse-core-data-format-call.cloned.1.call-start
scs
called_computation_lowered:
.L_overlay_start_0:
0x0: {  	s2 =	sld [smem:$0x3FD9]  }
0x1: {  	s3 =	sld [smem:$0x3FFE];
	_ =	sdelay $0x1  }
0x2: {  	s1 =	srdreg.scid  }
0x3: {  	s0 =	sand.u32 $0x1, s1  }
0x4: {  	s18 =	sshll.u32 s0, $0xA;
	s2 =	sadd.s32 s3, s2  }
0x5: {  	s2 =	sadd.s32 s2, s18  }
0x6: {  	[smem:$0x3FBE] =	sst s2  }
0x7: {  	_ = 	snop  }
0x8: {  	s2 =	sld [smem:$0x3FD0];
	(tm) =	ssettm $0x1  }
0x9: {  	s19 =	sld [smem:$0x3FFB];
	_ =	sdelay $0x3  }
0xa: {  	_ =	strace s19  }
0xb: {  	s3 =	sld [smem:$0x3FFC];
	_ =	sdelay $0x3  }
0xc: {  	_ =	strace s3  }
0xd: {  	s3 =	sld [smem:$0x3FFD];
	_ =	sdelay $0x3  }
0xe: {  	_ =	strace s3  }
0xf: {  	_ =	strace $0x8FFFFFFF  }
0x10: {  	s20 =	sld [smem:$0x3FDB];
	_ =	sdelay $0x1  }
0x11: {  	s4 =	simm.s32 $_scs_section_size  }
0x12: {  	s5 =	simm.s32 $_size__tile_overlayer_lowered;
	s6 =	simm.s32 $_tile_overlayer_lowered  }
0x13: {  	s23 =	simm.s32 $0x1BFF;
	s22 =	sshll.u32 s6, $0x1;
	s3 =	sadd.s32 s4, s20  }
0x14: {  	s7 =	simm.s32 $0x0;
	s21 =	sshll.u32 s5, $0x1;
	s5 =	sadd.s32 s22, s3  }
0x15: {  	[timem:s7], [sflag:s23] =	dma.local [hbm:s5], s21  }
0x16: {  	_ =	swait.ge [sflag:s23], s21  }
0x17: {  	s4 =	ssub.s32 $0x0, s21;
	[sflag:s23] =	ssyncset.done $0x0  }
0x18: {  	[sflag:s23] =	ssyncadd.s32 s4;
	_ =	sdelay $0x1  }
0x19: {  	s24 =	simm.s32 $0x1B8B  }
0x1a: {  	_ =	swait.ge [sflag:s24], $0x1  }
0x1b: {  	[sflag:s24] =	ssyncset.done $0x0  }
0x1c: {  	s26 =	simm.s32 $0x1B8E;
	s25 =	sld [smem:$0x3FFE];
	[sflag:s24] =	ssyncadd.s32 $0xFFFFFFFF  }
0x1d: {  	s27 =	simm.s32 $execute0_lowered;
	[smem:$0x3FD2] =	sst s26  }
0x1e: {  	s5 =	sshll.u32 s27, $0x1;
	_ =	strace $0x80000049;
	[dreg:$0x1] =	wrdreg $0xFFFFFFFF  }
0x1f: {  	s28 =	simm.s32 $_size_execute0_lowered;
	s3 =	sadd.s32 s3, s5;
	[dreg:$0x0] =	wrdreg $0x0  }
0x20: {  	s5 =	sshll.u32 s28, $0x1;
	[dreg:$0x2] =	wrdreg s3  }
0x21: {  	[dreg:$0x3] =	wrdreg s5  }
0x22: {  	[dreg:$0x4] =	wrdreg $0xC0  }
0x23: {  	_ =	task [dreg:s7], $0x5FFFF  }
0x24: {  	[dreg:$0x1] =	wrdreg $0xFFFFFFFF  }
0x25: {  	[dreg:$0x0] =	wrdreg $0x60  }
0x26: {  	[dreg:$0x2] =	wrdreg s25  }
0x27: {  	[dreg:$0x3] =	wrdreg s2  }
0x28: {  	[dreg:$0x4] =	wrdreg $0x9  }
0x29: {  	_ =	task.clear_ibuf [dreg:s7], $0x5FFFF;
	_ =	strace $0x90000049  }
0x2a: {  	s29 =	simm.s32 $0x9;
	_ =	strace $0x8000004B  }
0x2b: {  	_ =	swait.ge [sflag:s29], $0x1  }
0x2c: {  	[sflag:s29] =	ssyncadd.s32 $0xFFFFFFFF  }
0x2d: {  	_ =	strace $0x9000004B  }
0x2e: {  	_ =	sfence  }
0x2f: {  	s30 =	sld [smem:$0x0];
	_ =	sdelay $0x2  }
0x30: {  	s31 =	sshll.u32 s1, $0xD;
	s1 =	sshrl.u32 s1, $0x2  }
0x31: {  	s3 =	sand.u32 $0x4000, s31;
	s1 =	sadd.s32 s1, s30  }
0x32: {  	s0 =	sor.u32 s3, s0;
	s1 =	sshll.u32 s1, $0x11  }
0x33: {  	s0 =	sor.u32 s1, s0  }
0x34: {  	s0 =	sadd.s32 $0x8F2B, s0  }
0x35: {  	[sflag:s0] =	ssyncadd.remote.s32 $0x1  }
0x36: {  	_ =	sfence.sel $0xFFFF  }
0x37: {  	[dreg:$0x0] =	wrdreg $0xFFFFFFFF;
	(pc) =	sbr.abs _section_cstart, $3  }
0x38: {  	[dreg:$0x1] =	wrdreg $0xFFFFFFFF  }
0x39: {  	_ =	task.clear_ibuf [dreg:s7], $0x2FFFF;
	_ =	strace $0x9FFFFFFF  }
0x3a: {  	(tm) =	ssettm $0x7FFFFFFF  }
0x3b: {  	_ =	shalt  }
tec
execute0_lowered:
.L_overlay_start_1:
0x0: {  	(tag) =	ssettag $0x1  }
0x1: {  	s4 =	rddreg [dreg:$0x0]  }
0x2: {  	s2 =	rddreg [dreg:$0x1]  }
0x3: {  	s0 =	rddreg [dreg:$0x2];
	_ =	strace $0x8000004A  }
0x4: {  	s3 =	srdreg.scid;
	s1 =	stileid.u32;
	s6 =	simm.s32 $0x2  }
.Ltmp0:
0x5: {  	s11 =	simm.s32 $0x0;
	p0 =	por $0x0, $0x0;
	(pc) =	sbr.rel .LBB1_1-.Ltmp0, $4  }
0x6: {  	s10 =	simm.s32 $0x0;
	s8 =	simm.s32 $0x0;
	s5 =	sshll.u32 s3, $0x4  }
0x7: {  	s7 =	simm.s32 $0x0;
	s3 =	simm.s32 $0x1;
	s5 =	sand.u32 $0x10, s5  }
0x8: {  	s4 =	sadd.s32 $0x1600, s4;
	[sflag:s3] =	ssyncpa.u1 $0x0;
	s5 =	sor.u32 s1, s5  }
0x9: {  	[sflag:s6] =	ssyncpa.u1 $0x0;
	s6 =	simm.s32 $0x27400;
	s9 =	smov.u32 s5  }
.LBB1_5:
0xa: {  	s12 =	sadd.s32 $0x80, s8  }
0xb: {  	s10 =	sadd.s32 $0x20, s9;
	s14 =	smov.u32 s9;
	p2 =	sgt.s32 s12, $0x4E1F  }
0xc: {  	p1 =	slt.u32 s7, $0x2;
	s14 =	smov.u32 @p2 s10  }
0xd: {  	s7 =	sadd.s32 $0x1, s7;
	s12 =	simm.s32 @p2 $0x0;
	p2 =	sgt.s32 s14, $0x1F  }
0xe: {  	s14 =	smov.u32 @p2 s5;
	p2 =	sne.s32 s7, $0x9F  }
.Ltmp1:
0xf: {  	_ = 	snop;
	(pc) =	sbr.rel @!p2 .LBB1_6-.Ltmp1, $4  }
0x10: {  	s13 =	simm.s32 @!p1 $0x2  }
0x11: {  	s11 =	smov.u32 s8;
	_ =	swait.ge @!p1 [sflag:s13], $0x2000  }
0x12: {  	p0 =	por !p0, !p0;
	s10 =	smov.u32 s9;
	[sflag:s13] =	ssyncset.done @!p1 $0x0  }
0x13: {  	s8 =	smov.u32 s12;
	[sflag:s13] =	ssyncadd.s32 @!p1 $0xFFFFE000;
	s9 =	smov.u32 s14  }
.LBB1_1:
0x14: {  	p1 =	sgt.u32 s7, $0x9C  }
0x15: {  	s14 =	smov.u32 s9;
	s16 =	smov.u32 s8;
	p2 =	sgt.s32 @!p1 s9, $0x1F  }
0x16: {  	s12 =	sand.u32 @!p1 $0x1FFFFFF, s8;
	s15 =	sshra.s32 @!p1 s9, $0x1F;
	p2 =	por !p2, p1  }
0x17: {  	s17 =	sshra.s32 @!p1 s8, $0x1F;
	s14 =	simm.s32 @p2 $0x1F;
	p2 =	sgt.s32 @!p1 s8, $0x4DA0  }
0x18: {  	s13 =	smulhi.u32 @!p1 $0x1A36E2F, s12;
	s15 =	sand.u32 @!p1 s15, s9;
	p2 =	por !p2, p1  }
0x19: {  	s14 =	ssub.s32 @!p1 s14, s15;
	s15 =	sand.u32 @!p1 s17, s8;
	s16 =	simm.s32 @p2 $0x4DA0  }
0x1a: {  	s14 =	sadd.s32 @!p1 $0xFFFFFFE1, s14;
	s15 =	ssub.s32 @!p1 s16, s15  }
0x1b: {  	s13 =	sshrl.u32 @!p1 s13, $0x7;
	p2 =	sgt.s32 @!p1 s14, $0x0;
	s16 =	sadd.s32 @!p1 $0xFFFFB260, s15  }
0x1c: {  	s14 =	sshll.u32 @!p1 s14, $0x6;
	s15 =	ssub.s32 @!p1 $0x4E20, s15;
	p3 =	sgt.s32 @!p1 s16, $0x7F  }
0x1d: {  	s14 =	ssub.s32 @!p1 $0x40, s14;
	p2 =	por !p2, p1;
	p3 =	por !p3, p1  }
0x1e: {  	s13 =	smul.u32 @!p1 $0x4E20, s13;
	s14 =	simm.s32 @!p2 $0x0;
	s15 =	simm.s32 @!p3 $0x0  }
0x1f: {  	s16 =	sxor.u32 @!p1 $0xFFFFFFFF, s7;
	s14 =	smul.u32 @!p1 s15, s14  }
0x20: {  	s12 =	ssub.s32 @!p1 s12, s13;
	s15 =	sshll.u32 @!p1 s16, $0xD;
	s16 =	smul.u32 @!p1 $0x4E200, s9  }
0x21: {  	s12 =	sshll.u32 @!p1 s12, $0x4  }
0x22: {  	s15 =	sand.u32 @!p1 $0x2000, s15;
	s13 =	sand.u32 @!p1 $0x3FFFFFC0, s14;
	s14 =	sadd.s32 @!p1 s4, s16  }
0x23: {  	s16 =	simm.s32 @!p1 $0x80;
	s12 =	sadd.s32 @!p1 s12, s14;
	s14 =	simm.s32 @!p1 $0x40  }
0x24: {  	[tilespmem:s15], [sflag:$0x1] =	stream.strided.gather @!p1 [hbm4b:s12+s14], s13, s16, s14, $0x38;
	[tilespmem:$0x8080] =	vst v63  }
0x25: {  	p1 =	seq.s32 s7, $0x0  }
0x26: {  	p2 =	seq.s32 @!p1 s7, $0x9E  }
0x27: {  	p1 =	por p1, p2  }
.Ltmp2:
0x28: {  	_ = 	snop;
	(pc) =	sbr.rel @p1 .LBB1_5-.Ltmp2, $1  }
0x29: {  	_ =	sdelay $0x3  }
0x2a: {  	p1 =	sgt.s32 s10, $0x1F;
	s12 =	smov.u32 s10  }
0x2b: {  	s13 =	sshra.s32 s10, $0x1F;
	s14 =	smov.u32 s11;
	s15 =	sshra.s32 s11, $0x1F  }
0x2c: {  	s12 =	simm.s32 @!p1 $0x1F;
	s13 =	sand.u32 s13, s10;
	p1 =	sgt.s32 s11, $0x4DA0  }
0x2d: {  	s27 =	sand.u32 s15, s11;
	s12 =	ssub.s32 s12, s13;
	s14 =	simm.s32 @!p1 $0x4DA0  }
0x2e: {  	s12 =	sadd.s32 $0xFFFFFFE1, s12;
	s13 =	ssub.s32 s14, s27  }
0x2f: {  	p1 =	sgt.s32 s12, $0x0;
	s14 =	sadd.s32 $0xFFFFB260, s13;
	s12 =	sshll.u32 s12, $0x6  }
0x30: {  	s13 =	ssub.s32 $0x4E20, s13;
	p2 =	sgt.s32 s14, $0x7F;
	s12 =	ssub.s32 $0x40, s12  }
0x31: {  	s13 =	simm.s32 @p2 $0x0;
	s12 =	simm.s32 @p1 $0x0  }
0x32: {  	s12 =	smul.u32 s13, s12;
	_ =	sdelay $0x1  }
0x33: {  	s13 =	simm.s32 $0x1;
	s12 =	sand.u32 $0x3FFFFFC0, s12  }
0x34: {  	s13 =	simm.s32 @!p0 $0x0;
	_ =	swait.ge [sflag:s3], s12  }
0x35: {  	s28 =	sshll.u32 s13, $0xD;
	s12 =	ssub.s32 $0x0, s12;
	[sflag:s3] =	ssyncset.done $0x0  }
0x36: {  	s16 =	sor.u32 $0x20, s28;
	[sflag:s3] =	ssyncadd.s32 s12  }
0x37: {  	s29 =	smul.u32 $0x8100, s13;
	v3 =	vld [tilespmem:s16+$0x10]  }
0x38: {  	s30 =	sand.u32 $0x1, s7;
	v2 =	vld [tilespmem:s16+$0xFFFFFFF0]  }
0x39: {  	s13 =	smul.u32 $0x8100, s30;
	s12 =	sshrl.u32 s29, $0x2;
	v0 =	vld [tilespmem:s16+$0x0]  }
0x3a: {  	s14 =	sor.u32 $0x4000, s12;
	v1 =	vld [tilespmem:s16+$0xFFFFFFE0]  }
0x3b: {  	s31 =	sshrl.u32 s13, $0x2;
	s13 =	sadd.s32 $0x0, s14  }
0x3c: {  	s15 =	simm.s32 $0x4;
	s12 =	sor.u32 $0x4000, s31;
	s16 =	sadd.s32 $0x40, s16;
	[tilespmem:s13+$0x1830 ss:$0x81] =	vst.msk $0xffff, v3  }
.LBB1_3:
0x3d: {  	v3 =	vld [tilespmem:s16+$0x10];
	p1 =	sne.s32 s15, $0x1FC;
	[tilespmem:s13+$0x810 ss:$0x81] =	vst.msk $0xffff, v2;
	s17 =	smov.u32 s15;
	s15 =	sadd.s32 $0x4, s15  }
.Ltmp3:
0x3e: {  	v2 =	vld [tilespmem:s16+$0xFFFFFFF0];
	[tilespmem:s13+$0x1020 ss:$0x81] =	vst.msk $0xffff, v0;
	(pc) =	sbr.rel @p1 .LBB1_3-.Ltmp3, $4  }
0x3f: {  	v0 =	vld [tilespmem:s16+$0x0];
	[tilespmem:s13+$0x0 ss:$0x81] =	vst.msk $0xffff, v1  }
0x40: {  	s13 =	sshra.s32 s17, $0x2;
	v1 =	vld [tilespmem:s16+$0xFFFFFFE0]  }
0x41: {  	s13 =	sadd.s32 s13, s14  }
0x42: {  	s16 =	sadd.s32 $0x40, s16;
	[tilespmem:s13+$0x1830 ss:$0x81] =	vst.msk $0xffff, v3  }
0x43: {  	s14 =	sshll.u32 s11, $0x3  }
0x44: {  	s29 =	sand.u32 $0x7F, s11;
	s14 =	sand.u32 $0xFFFFFC00, s14  }
0x45: {  	s11 =	sor.u32 s29, s14;
	s14 =	smulhi.u32 $0x342DA7F3, s14  }
0x46: {  	s15 =	smulhi.u32 $0x342DA7F3, s11;
	_ =	sdelay $0x1  }
0x47: {  	s10 =	smul.u32 $0x27400, s10;
	s14 =	sshrl.u32 s14, $0xC;
	s15 =	sshrl.u32 s15, $0xC  }
0x48: {  	s14 =	sand.u32 $0x3F, s14;
	s15 =	smul.u32 $0x4E80, s15  }
0x49: {  	s14 =	smul.u32 $0x9D0, s14  }
.Ltmp4:
0x4a: {  	s11 =	ssub.s32 s11, s15;
	(pc) =	sbr.rel .LBB1_5-.Ltmp4, $4  }
0x4b: {  	[tilespmem:s13+$0x810 ss:$0x81] =	vst.msk $0xffff, v2;
	s10 =	sadd.s32 s2, s10;
	s15 =	sand.u32 $0x7, s11  }
0x4c: {  	[tilespmem:s13+$0x1020 ss:$0x81] =	vst.msk $0xffff, v0;
	s10 =	sadd.s32 s14, s10;
	s11 =	sshrl.u32 s11, $0x3;
	s30 =	sshll.u32 s15, $0x12  }
0x4d: {  	[tilespmem:s13+$0x0 ss:$0x81] =	vst.msk $0xffff, v1;
	s10 =	sadd.s32 s11, s10;
	s31 =	sor.u32 $0x400, s30  }
0x4e: {  	[hbm4b:s10+s31] =	stream.strided.scatter [tilespmem:s12], [sflag:$0x2], $0x2000, s6, s31, $0x20;
	[tilespmem:$0x8080] =	vst v63  }
.LBB1_6:
0x4f: {  	_ =	sfence.sel $0x180000  }
0x50: {  	s2 =	simm.s32 $0x1;
	[bflag:$0x0] =	sbarrier.arrive $0xFFFF  }
0x51: {  	s31 =	simm.s32 $0x2;
	[sflag:s2] =	ssyncpa.u1 $0x1  }
0x52: {  	[sflag:s31] =	ssyncpa.u1 $0x1  }
0x53: {  	p0 =	sne.s32 s1, $0x0;
	_ =	strace $0x9000004A  }
0x54: {  	s0 =	sadd.s32 @!p0 $0x100000, s0;
	[bflag:$0x2] =	sbarrier.arrive $0xFFFF  }
0x55: {  	[sflag:s0] =	ssyncadd.tile.s32 @!p0 $0x1;
	_ =	shalt  }
.Lfunc_end1:
_tile_overlayer_lowered:
.L_overlay_start_2:
0x56: {  	(tag) =	ssettag $0x2  }
0x57: {  	s0 =	rddreg [dreg:$0x0];
	s2 =	stileid.u32  }
0x58: {  	s1 =	rddreg [dreg:$0x1];
	p0 =	sne.s32 s2, $0x0  }
0x59: {  	s3 =	rddreg [dreg:$0x2];
	[bflag:$0x3] =	sbarrier.arrive $0xFFFF;
	s2 =	simm.s32 @!p0 $0x1C01  }
0x5a: {  	[timem:s3], [sflag:s2] =	dma.local @!p0 [hbm:s0], s1  }
0x5b: {  	s0 =	simm.s32 @!p0 $0x1  }
0x5c: {  	_ =	swait.ge @!p0 [sflag:s0], s1  }
0x5d: {  	s1 =	ssub.s32 @!p0 $0x0, s1;
	[sflag:s0] =	ssyncset.done @!p0 $0x0  }
0x5e: {  	[sflag:s0] =	ssyncadd.s32 @!p0 s1  }
0x5f: {  	[bflag:$0x3] =	sbarrier.arrive $0xFFFF  }
0x60: {  	_ =	shalt  }

</sc_bundles>
